<compile_context>
chip_gen: v7x
topology: tpu7x:2x2x1
jax: 0.10.2.dev20260603
libtpu: 0.0.44.dev20260713+nightly
codegen_flags: <defaults>
</compile_context>

<pallas_src>
import functools

import jax
import jax.numpy as jnp
from jax import lax
from jax.experimental import pallas as pl
from jax.experimental.pallas import tpu as pltpu
from jax.experimental.pallas import tpu_sc as plsc

_L = 128
_HC = 10


@functools.lru_cache(maxsize=None)
def _build(B, H, D, V):
    info = plsc.get_sparse_core_info()
    nw = info.num_cores * info.num_subcores
    nbt = B // _L
    bt_per_w = nbt // nw
    n_hc = H // _HC
    r = D // 8
    nq = bt_per_w * n_hc
    assert nbt % nw == 0 and H % _HC == 0 and D % 8 == 0 and nq % 2 == 0

    mesh = plsc.VectorSubcoreMesh(core_axis_name="c", subcore_axis_name="s")

    @functools.partial(
        pl.kernel,
        mesh=mesh,
        compiler_params=pltpu.CompilerParams(use_tc_tiling_on_sc=False,
                                             needs_layout_passes=False),
        out_type=jax.ShapeDtypeStruct((H, r, nbt, 8, _L), jnp.float32),
        scratch_types=[
            pltpu.VMEM((_HC, _L), jnp.int32),
            pltpu.VMEM((_HC, _L), jnp.int32),
            pltpu.VMEM((_HC, _L, D), jnp.float32),
            pltpu.VMEM((_HC, _L, D), jnp.float32),
            pltpu.VMEM((_HC, r, 8, _L + 1), jnp.float32),
            pltpu.SemaphoreType.DMA,
            pltpu.SemaphoreType.DMA,
        ],
    )
    def gather_kernel(idxT_hbm, table_hbm, out_hbm,
                      gl0_v, gl1_v, rows0_v, rows1_v, tl_v, sem0, sem1):
        wid = lax.axis_index("s") * info.num_cores + lax.axis_index("c")
        lanes16 = lax.iota(jnp.int32, 16)

        def coords(q):
            bt = wid * bt_per_w + lax.div(q, n_hc)
            h0 = lax.rem(q, n_hc) * _HC
            return bt, h0

        def load_fire(q, gl_v, rows_v, sem):
            bt, h0 = coords(q)
            pltpu.sync_copy(
                idxT_hbm.at[pl.ds(h0, _HC), pl.ds(bt * _L, _L)], gl_v)
            for hh in range(_HC):
                pltpu.async_copy(table_hbm.at[gl_v.at[hh]],
                                 rows_v.at[hh], sem)

        def drain(gl_v, rows_v, sem):
            for hh in range(_HC):
                pltpu.make_async_copy(table_hbm.at[gl_v.at[hh]],
                                      rows_v.at[hh], sem).wait()

        zero16 = jnp.zeros((16,), jnp.int32)
        lane129 = lax.iota(jnp.int32, 16) * (_L + 1)

        def process(q, rows_v):
            bt, h0 = coords(q)

            def tbody(j, c2):
                hh = lax.shift_right_logical(j, 7)
                l = lax.bitwise_and(j, 127)
                base = jnp.broadcast_to(
                    hh * (D * (_L + 1)) + l, (16,)) + lane129
                for u in range(D // 16):
                    v = rows_v[hh, l, pl.ds(u * 16, 16)]
                    plsc.store_scatter(
                        tl_v, [zero16, zero16, zero16,
                               base + u * 16 * (_L + 1)], v)
                return c2

            lax.fori_loop(0, _HC * _L, tbody, 0)
            pltpu.sync_copy(tl_v.at[:, :, :, pl.ds(0, _L)],
                            out_hbm.at[pl.ds(h0, _HC), :, bt])

        load_fire(0, gl0_v, rows0_v, sem0)

        def body(p, carry):
            q0 = 2 * p
            load_fire(q0 + 1, gl1_v, rows1_v, sem1)
            drain(gl0_v, rows0_v, sem0)
            process(q0, rows0_v)

            @pl.when(p < nq // 2 - 1)
            def _():
                load_fire(q0 + 2, gl0_v, rows0_v, sem0)

            drain(gl1_v, rows1_v, sem1)
            process(q0 + 1, rows1_v)
            return carry

        lax.fori_loop(0, nq // 2, body, 0)

    return gather_kernel


def kernel(X, table):
    B, H = X.shape
    V, D = table.shape
    idxT = X.T.astype(jnp.int32)
    out5 = _build(B, H, D, V)(idxT, table)
    return out5.transpose(2, 4, 0, 1, 3).reshape(B, H, D)

# --- scband reference (transcript-rebuilt; emitter-appended) ---
"""Pipeline reference for scband-embedding-71322226917752 (READ-ONLY COPY).

The authoritative reference and input builder live on the scoring server;
editing this copy changes nothing except your own understanding.
"""

import jax, jax.numpy as jnp
import numpy as np

VOCAB = 1000000
EMBED_DIM = 32
BATCH = 16384
HIST = 50

def setup_inputs(seed: int = 0) -> dict:
    key = jax.random.key(seed)
    k1, k2 = jax.random.split(key)
    X = jax.random.randint(k1, (BATCH, HIST), 0, VOCAB, dtype=jnp.int64) if jax.config.jax_enable_x64 else jax.random.randint(k1, (BATCH, HIST), 0, VOCAB, dtype=jnp.int32)
    table = jax.random.normal(k2, (VOCAB, EMBED_DIM), dtype=jnp.float32)
    return {"X": X, "table": table}

def reference(X, table):
    # nn.Embedding forward: simple row gather from the embedding table
    y = jnp.take(table, X, axis=0)
    return y

if __name__ == "__main__":
    import jax
    _d = setup_inputs()
    print(jax.jit(kernel)(*tuple(_d.values())))

</pallas_src>

<mosaic_0001>
#map = affine_map<(d0, d1) -> (0, 0)>
#map1 = affine_map<(d0, d1) -> (0, 0, 0, 0, 0)>
module attributes {stable_mosaic.version = 14 : i64} {
  func.func @gather_kernel(%arg0: i32, %arg1: i32, %arg2: memref<50x16384xi32, #tpu.memory_space<hbm>>, %arg3: memref<1000000x32xf32, #tpu.memory_space<hbm>>, %arg4: memref<50x4x128x8x128xf32, #tpu.memory_space<hbm>>, %arg5: memref<10x128xi32, #tpu.memory_space<vmem>>, %arg6: memref<10x128xi32, #tpu.memory_space<vmem>>, %arg7: memref<10x128x32xf32, #tpu.memory_space<vmem>>, %arg8: memref<10x128x32xf32, #tpu.memory_space<vmem>>, %arg9: memref<10x4x8x129xf32, #tpu.memory_space<vmem>>, %arg10: memref<!tpu.dma_semaphore, #tpu.memory_space<semaphore_mem>>, %arg11: memref<!tpu.dma_semaphore, #tpu.memory_space<semaphore_mem>>) attributes {dimension_semantics = [#tpu.dimension_semantics<core_parallel>, #tpu.dimension_semantics<subcore_parallel>], iteration_bounds = array<i64: 2, 16>, scalar_prefetch = 0 : i64, scratch_operands = 7 : i64, tpu.core_type = #tpu.core_type<sc_vector_subcore>, window_params = [{transform_indices = #map}, {transform_indices = #map}, {transform_indices = #map1}]} {
    %mul3A = arith.constant 2 : i32
    %mul3A_0 = arith.muli %arg1, %mul3A : i32
    %add3A = arith.addi %mul3A_0, %arg0 : i32
    %iota3A = tpu.iota {dimensions = array<i32: 0>} : vector<16xi32>
    %broadcast_in_dim3A = arith.constant 0 : i32
    %broadcast_in_dim3A_1 = vector.broadcast %broadcast_in_dim3A : i32 to vector<16xi32>
    %iota3A_2 = tpu.iota {dimensions = array<i32: 0>} : vector<16xi32>
    %mul3A_3 = arith.constant 129 : i32
    %mul3A_4 = vector.broadcast %mul3A_3 : i32 to vector<16xi32>
    %mul3A_5 = arith.muli %iota3A_2, %mul3A_4 : vector<16xi32>
    %mul3A_6 = arith.constant 4 : i32
    %mul3A_7 = arith.muli %add3A, %mul3A_6 : i32
    %div3A = arith.constant 0 : i32
    %div3A_8 = arith.constant 5 : i32
    %div3A_9 = arith.divsi %div3A, %div3A_8 : i32
    %add3A_10 = arith.addi %mul3A_7, %div3A_9 : i32
    %rem3A = arith.constant 0 : i32
    %rem3A_11 = arith.constant 5 : i32
    %rem3A_12 = arith.remsi %rem3A, %rem3A_11 : i32
    %mul3A_13 = arith.constant 10 : i32
    %mul3A_14 = arith.muli %rem3A_12, %mul3A_13 : i32
    %mul3A_15 = arith.constant 128 : i32
    %mul3A_16 = arith.muli %add3A_10, %mul3A_15 : i32
    "tpu.region"() ({
      %run_scoped3A = tpu.sem_alloc : memref<!tpu.dma_semaphore, #tpu.memory_space<semaphore_mem>>
      %dma_start3A_141 = tpu.memref_slice %arg2[%mul3A_14, %mul3A_16] : memref<50x16384xi32, #tpu.memory_space<hbm>> -> memref<10x128xi32, #tpu.memory_space<hbm>>
      %dma_start3A_142 = tpu.memref_slice %arg2[%mul3A_14, %mul3A_16] : memref<50x16384xi32, #tpu.memory_space<hbm>> -> memref<10x128xi32, #tpu.memory_space<hbm>>
      tpu.enqueue_dma source(%dma_start3A_142 : memref<10x128xi32, #tpu.memory_space<hbm>>) target(%arg5 : memref<10x128xi32, #tpu.memory_space<vmem>>) target_semaphore(%run_scoped3A : memref<!tpu.dma_semaphore, #tpu.memory_space<semaphore_mem>>)
      %dma_wait3A = tpu.memref_slice %arg2[%mul3A_14, %mul3A_16] : memref<50x16384xi32, #tpu.memory_space<hbm>> -> memref<10x128xi32, #tpu.memory_space<hbm>>
      %dma_wait3A_143 = tpu.memref_slice %arg2[%mul3A_14, %mul3A_16] : memref<50x16384xi32, #tpu.memory_space<hbm>> -> memref<10x128xi32, #tpu.memory_space<hbm>>
      tpu.wait_dma2 semaphore(%run_scoped3A : memref<!tpu.dma_semaphore, #tpu.memory_space<semaphore_mem>>) src(%dma_wait3A_143 : memref<10x128xi32, #tpu.memory_space<hbm>>) dst(%arg5 : memref<10x128xi32, #tpu.memory_space<vmem>>)
      tpu.yield
    }) : () -> ()
    %dma_start3A = arith.constant 0 : i32
    %dma_start3A_17 = arith.constant 0 : i32
    %dma_start3A_18 = arith.constant 0 : i32
    %dma_start3A_19 = arith.constant 0 : i32
    %dma_start3A_20 = tpu.memref_slice %arg7[%dma_start3A_17, %dma_start3A_18, %dma_start3A_19] : memref<10x128x32xf32, #tpu.memory_space<vmem>> -> memref<1x128x32xf32, #tpu.memory_space<vmem>>
    %dma_start3A_21 = tpu.memref_squeeze %dma_start3A_20 : memref<1x128x32xf32, #tpu.memory_space<vmem>> -> memref<128x32xf32, #tpu.memory_space<vmem>>
    %dma_start3A_22 = arith.constant 0 : i32
    %dma_start3A_23 = tpu.memref_slice %arg5[%dma_start3A, %dma_start3A_22] : memref<10x128xi32, #tpu.memory_space<vmem>> -> memref<1x128xi32, #tpu.memory_space<vmem>>
    %dma_start3A_24 = tpu.memref_squeeze %dma_start3A_23 : memref<1x128xi32, #tpu.memory_space<vmem>> -> memref<128xi32, #tpu.memory_space<vmem>>
    %dma_start3A_25 = arith.constant 0 : i32
    %dma_start3A_26 = arith.constant 0 : i32
    %dma_start3A_27 = tpu.memref_slice %arg3[%dma_start3A_25, %dma_start3A_26] : memref<1000000x32xf32, #tpu.memory_space<hbm>> -> memref<1000000x32xf32, #tpu.memory_space<hbm>>
    tpu.enqueue_indirect_dma source(%dma_start3A_27 : memref<1000000x32xf32, #tpu.memory_space<hbm>>) target(%dma_start3A_21 : memref<128x32xf32, #tpu.memory_space<vmem>>) offsets(%dma_start3A_24 : memref<128xi32, #tpu.memory_space<vmem>>) semaphore(%arg10 : memref<!tpu.dma_semaphore, #tpu.memory_space<semaphore_mem>>)
    %dma_start3A_28 = arith.constant 1 : i32
    %dma_start3A_29 = arith.constant 1 : i32
    %dma_start3A_30 = arith.constant 0 : i32
    %dma_start3A_31 = arith.constant 0 : i32
    %dma_start3A_32 = tpu.memref_slice %arg7[%dma_start3A_29, %dma_start3A_30, %dma_start3A_31] : memref<10x128x32xf32, #tpu.memory_space<vmem>> -> memref<1x128x32xf32, #tpu.memory_space<vmem>>
    %dma_start3A_33 = tpu.memref_squeeze %dma_start3A_32 : memref<1x128x32xf32, #tpu.memory_space<vmem>> -> memref<128x32xf32, #tpu.memory_space<vmem>>
    %dma_start3A_34 = arith.constant 0 : i32
    %dma_start3A_35 = tpu.memref_slice %arg5[%dma_start3A_28, %dma_start3A_34] : memref<10x128xi32, #tpu.memory_space<vmem>> -> memref<1x128xi32, #tpu.memory_space<vmem>>
    %dma_start3A_36 = tpu.memref_squeeze %dma_start3A_35 : memref<1x128xi32, #tpu.memory_space<vmem>> -> memref<128xi32, #tpu.memory_space<vmem>>
    %dma_start3A_37 = arith.constant 0 : i32
    %dma_start3A_38 = arith.constant 0 : i32
    %dma_start3A_39 = tpu.memref_slice %arg3[%dma_start3A_37, %dma_start3A_38] : memref<1000000x32xf32, #tpu.memory_space<hbm>> -> memref<1000000x32xf32, #tpu.memory_space<hbm>>
    tpu.enqueue_indirect_dma source(%dma_start3A_39 : memref<1000000x32xf32, #tpu.memory_space<hbm>>) target(%dma_start3A_33 : memref<128x32xf32, #tpu.memory_space<vmem>>) offsets(%dma_start3A_36 : memref<128xi32, #tpu.memory_space<vmem>>) semaphore(%arg10 : memref<!tpu.dma_semaphore, #tpu.memory_space<semaphore_mem>>)
    %dma_start3A_40 = arith.constant 2 : i32
    %dma_start3A_41 = arith.constant 2 : i32
    %dma_start3A_42 = arith.constant 0 : i32
    %dma_start3A_43 = arith.constant 0 : i32
    %dma_start3A_44 = tpu.memref_slice %arg7[%dma_start3A_41, %dma_start3A_42, %dma_start3A_43] : memref<10x128x32xf32, #tpu.memory_space<vmem>> -> memref<1x128x32xf32, #tpu.memory_space<vmem>>
    %dma_start3A_45 = tpu.memref_squeeze %dma_start3A_44 : memref<1x128x32xf32, #tpu.memory_space<vmem>> -> memref<128x32xf32, #tpu.memory_space<vmem>>
    %dma_start3A_46 = arith.constant 0 : i32
    %dma_start3A_47 = tpu.memref_slice %arg5[%dma_start3A_40, %dma_start3A_46] : memref<10x128xi32, #tpu.memory_space<vmem>> -> memref<1x128xi32, #tpu.memory_space<vmem>>
    %dma_start3A_48 = tpu.memref_squeeze %dma_start3A_47 : memref<1x128xi32, #tpu.memory_space<vmem>> -> memref<128xi32, #tpu.memory_space<vmem>>
    %dma_start3A_49 = arith.constant 0 : i32
    %dma_start3A_50 = arith.constant 0 : i32
    %dma_start3A_51 = tpu.memref_slice %arg3[%dma_start3A_49, %dma_start3A_50] : memref<1000000x32xf32, #tpu.memory_space<hbm>> -> memref<1000000x32xf32, #tpu.memory_space<hbm>>
    tpu.enqueue_indirect_dma source(%dma_start3A_51 : memref<1000000x32xf32, #tpu.memory_space<hbm>>) target(%dma_start3A_45 : memref<128x32xf32, #tpu.memory_space<vmem>>) offsets(%dma_start3A_48 : memref<128xi32, #tpu.memory_space<vmem>>) semaphore(%arg10 : memref<!tpu.dma_semaphore, #tpu.memory_space<semaphore_mem>>)
    %dma_start3A_52 = arith.constant 3 : i32
    %dma_start3A_53 = arith.constant 3 : i32
    %dma_start3A_54 = arith.constant 0 : i32
    %dma_start3A_55 = arith.constant 0 : i32
    %dma_start3A_56 = tpu.memref_slice %arg7[%dma_start3A_53, %dma_start3A_54, %dma_start3A_55] : memref<10x128x32xf32, #tpu.memory_space<vmem>> -> memref<1x128x32xf32, #tpu.memory_space<vmem>>
    %dma_start3A_57 = tpu.memref_squeeze %dma_start3A_56 : memref<1x128x32xf32, #tpu.memory_space<vmem>> -> memref<128x32xf32, #tpu.memory_space<vmem>>
    %dma_start3A_58 = arith.constant 0 : i32
    %dma_start3A_59 = tpu.memref_slice %arg5[%dma_start3A_52, %dma_start3A_58] : memref<10x128xi32, #tpu.memory_space<vmem>> -> memref<1x128xi32, #tpu.memory_space<vmem>>
    %dma_start3A_60 = tpu.memref_squeeze %dma_start3A_59 : memref<1x128xi32, #tpu.memory_space<vmem>> -> memref<128xi32, #tpu.memory_space<vmem>>
    %dma_start3A_61 = arith.constant 0 : i32
    %dma_start3A_62 = arith.constant 0 : i32
    %dma_start3A_63 = tpu.memref_slice %arg3[%dma_start3A_61, %dma_start3A_62] : memref<1000000x32xf32, #tpu.memory_space<hbm>> -> memref<1000000x32xf32, #tpu.memory_space<hbm>>
    tpu.enqueue_indirect_dma source(%dma_start3A_63 : memref<1000000x32xf32, #tpu.memory_space<hbm>>) target(%dma_start3A_57 : memref<128x32xf32, #tpu.memory_space<vmem>>) offsets(%dma_start3A_60 : memref<128xi32, #tpu.memory_space<vmem>>) semaphore(%arg10 : memref<!tpu.dma_semaphore, #tpu.memory_space<semaphore_mem>>)
    %dma_start3A_64 = arith.constant 4 : i32
    %dma_start3A_65 = arith.constant 4 : i32
    %dma_start3A_66 = arith.constant 0 : i32
    %dma_start3A_67 = arith.constant 0 : i32
    %dma_start3A_68 = tpu.memref_slice %arg7[%dma_start3A_65, %dma_start3A_66, %dma_start3A_67] : memref<10x128x32xf32, #tpu.memory_space<vmem>> -> memref<1x128x32xf32, #tpu.memory_space<vmem>>
    %dma_start3A_69 = tpu.memref_squeeze %dma_start3A_68 : memref<1x128x32xf32, #tpu.memory_space<vmem>> -> memref<128x32xf32, #tpu.memory_space<vmem>>
    %dma_start3A_70 = arith.constant 0 : i32
    %dma_start3A_71 = tpu.memref_slice %arg5[%dma_start3A_64, %dma_start3A_70] : memref<10x128xi32, #tpu.memory_space<vmem>> -> memref<1x128xi32, #tpu.memory_space<vmem>>
    %dma_start3A_72 = tpu.memref_squeeze %dma_start3A_71 : memref<1x128xi32, #tpu.memory_space<vmem>> -> memref<128xi32, #tpu.memory_space<vmem>>
    %dma_start3A_73 = arith.constant 0 : i32
    %dma_start3A_74 = arith.constant 0 : i32
    %dma_start3A_75 = tpu.memref_slice %arg3[%dma_start3A_73, %dma_start3A_74] : memref<1000000x32xf32, #tpu.memory_space<hbm>> -> memref<1000000x32xf32, #tpu.memory_space<hbm>>
    tpu.enqueue_indirect_dma source(%dma_start3A_75 : memref<1000000x32xf32, #tpu.memory_space<hbm>>) target(%dma_start3A_69 : memref<128x32xf32, #tpu.memory_space<vmem>>) offsets(%dma_start3A_72 : memref<128xi32, #tpu.memory_space<vmem>>) semaphore(%arg10 : memref<!tpu.dma_semaphore, #tpu.memory_space<semaphore_mem>>)
    %dma_start3A_76 = arith.constant 5 : i32
    %dma_start3A_77 = arith.constant 5 : i32
    %dma_start3A_78 = arith.constant 0 : i32
    %dma_start3A_79 = arith.constant 0 : i32
    %dma_start3A_80 = tpu.memref_slice %arg7[%dma_start3A_77, %dma_start3A_78, %dma_start3A_79] : memref<10x128x32xf32, #tpu.memory_space<vmem>> -> memref<1x128x32xf32, #tpu.memory_space<vmem>>
    %dma_start3A_81 = tpu.memref_squeeze %dma_start3A_80 : memref<1x128x32xf32, #tpu.memory_space<vmem>> -> memref<128x32xf32, #tpu.memory_space<vmem>>
    %dma_start3A_82 = arith.constant 0 : i32
    %dma_start3A_83 = tpu.memref_slice %arg5[%dma_start3A_76, %dma_start3A_82] : memref<10x128xi32, #tpu.memory_space<vmem>> -> memref<1x128xi32, #tpu.memory_space<vmem>>
    %dma_start3A_84 = tpu.memref_squeeze %dma_start3A_83 : memref<1x128xi32, #tpu.memory_space<vmem>> -> memref<128xi32, #tpu.memory_space<vmem>>
    %dma_start3A_85 = arith.constant 0 : i32
    %dma_start3A_86 = arith.constant 0 : i32
    %dma_start3A_87 = tpu.memref_slice %arg3[%dma_start3A_85, %dma_start3A_86] : memref<1000000x32xf32, #tpu.memory_space<hbm>> -> memref<1000000x32xf32, #tpu.memory_space<hbm>>
    tpu.enqueue_indirect_dma source(%dma_start3A_87 : memref<1000000x32xf32, #tpu.memory_space<hbm>>) target(%dma_start3A_81 : memref<128x32xf32, #tpu.memory_space<vmem>>) offsets(%dma_start3A_84 : memref<128xi32, #tpu.memory_space<vmem>>) semaphore(%arg10 : memref<!tpu.dma_semaphore, #tpu.memory_space<semaphore_mem>>)
    %dma_start3A_88 = arith.constant 6 : i32
    %dma_start3A_89 = arith.constant 6 : i32
    %dma_start3A_90 = arith.constant 0 : i32
    %dma_start3A_91 = arith.constant 0 : i32
    %dma_start3A_92 = tpu.memref_slice %arg7[%dma_start3A_89, %dma_start3A_90, %dma_start3A_91] : memref<10x128x32xf32, #tpu.memory_space<vmem>> -> memref<1x128x32xf32, #tpu.memory_space<vmem>>
    %dma_start3A_93 = tpu.memref_squeeze %dma_start3A_92 : memref<1x128x32xf32, #tpu.memory_space<vmem>> -> memref<128x32xf32, #tpu.memory_space<vmem>>
    %dma_start3A_94 = arith.constant 0 : i32
    %dma_start3A_95 = tpu.memref_slice %arg5[%dma_start3A_88, %dma_start3A_94] : memref<10x128xi32, #tpu.memory_space<vmem>> -> memref<1x128xi32, #tpu.memory_space<vmem>>
    %dma_start3A_96 = tpu.memref_squeeze %dma_start3A_95 : memref<1x128xi32, #tpu.memory_space<vmem>> -> memref<128xi32, #tpu.memory_space<vmem>>
    %dma_start3A_97 = arith.constant 0 : i32
    %dma_start3A_98 = arith.constant 0 : i32
    %dma_start3A_99 = tpu.memref_slice %arg3[%dma_start3A_97, %dma_start3A_98] : memref<1000000x32xf32, #tpu.memory_space<hbm>> -> memref<1000000x32xf32, #tpu.memory_space<hbm>>
    tpu.enqueue_indirect_dma source(%dma_start3A_99 : memref<1000000x32xf32, #tpu.memory_space<hbm>>) target(%dma_start3A_93 : memref<128x32xf32, #tpu.memory_space<vmem>>) offsets(%dma_start3A_96 : memref<128xi32, #tpu.memory_space<vmem>>) semaphore(%arg10 : memref<!tpu.dma_semaphore, #tpu.memory_space<semaphore_mem>>)
    %dma_start3A_100 = arith.constant 7 : i32
    %dma_start3A_101 = arith.constant 7 : i32
    %dma_start3A_102 = arith.constant 0 : i32
    %dma_start3A_103 = arith.constant 0 : i32
    %dma_start3A_104 = tpu.memref_slice %arg7[%dma_start3A_101, %dma_start3A_102, %dma_start3A_103] : memref<10x128x32xf32, #tpu.memory_space<vmem>> -> memref<1x128x32xf32, #tpu.memory_space<vmem>>
    %dma_start3A_105 = tpu.memref_squeeze %dma_start3A_104 : memref<1x128x32xf32, #tpu.memory_space<vmem>> -> memref<128x32xf32, #tpu.memory_space<vmem>>
    %dma_start3A_106 = arith.constant 0 : i32
    %dma_start3A_107 = tpu.memref_slice %arg5[%dma_start3A_100, %dma_start3A_106] : memref<10x128xi32, #tpu.memory_space<vmem>> -> memref<1x128xi32, #tpu.memory_space<vmem>>
    %dma_start3A_108 = tpu.memref_squeeze %dma_start3A_107 : memref<1x128xi32, #tpu.memory_space<vmem>> -> memref<128xi32, #tpu.memory_space<vmem>>
    %dma_start3A_109 = arith.constant 0 : i32
    %dma_start3A_110 = arith.constant 0 : i32
    %dma_start3A_111 = tpu.memref_slice %arg3[%dma_start3A_109, %dma_start3A_110] : memref<1000000x32xf32, #tpu.memory_space<hbm>> -> memref<1000000x32xf32, #tpu.memory_space<hbm>>
    tpu.enqueue_indirect_dma source(%dma_start3A_111 : memref<1000000x32xf32, #tpu.memory_space<hbm>>) target(%dma_start3A_105 : memref<128x32xf32, #tpu.memory_space<vmem>>) offsets(%dma_start3A_108 : memref<128xi32, #tpu.memory_space<vmem>>) semaphore(%arg10 : memref<!tpu.dma_semaphore, #tpu.memory_space<semaphore_mem>>)
    %dma_start3A_112 = arith.constant 8 : i32
    %dma_start3A_113 = arith.constant 8 : i32
    %dma_start3A_114 = arith.constant 0 : i32
    %dma_start3A_115 = arith.constant 0 : i32
    %dma_start3A_116 = tpu.memref_slice %arg7[%dma_start3A_113, %dma_start3A_114, %dma_start3A_115] : memref<10x128x32xf32, #tpu.memory_space<vmem>> -> memref<1x128x32xf32, #tpu.memory_space<vmem>>
    %dma_start3A_117 = tpu.memref_squeeze %dma_start3A_116 : memref<1x128x32xf32, #tpu.memory_space<vmem>> -> memref<128x32xf32, #tpu.memory_space<vmem>>
    %dma_start3A_118 = arith.constant 0 : i32
    %dma_start3A_119 = tpu.memref_slice %arg5[%dma_start3A_112, %dma_start3A_118] : memref<10x128xi32, #tpu.memory_space<vmem>> -> memref<1x128xi32, #tpu.memory_space<vmem>>
    %dma_start3A_120 = tpu.memref_squeeze %dma_start3A_119 : memref<1x128xi32, #tpu.memory_space<vmem>> -> memref<128xi32, #tpu.memory_space<vmem>>
    %dma_start3A_121 = arith.constant 0 : i32
    %dma_start3A_122 = arith.constant 0 : i32
    %dma_start3A_123 = tpu.memref_slice %arg3[%dma_start3A_121, %dma_start3A_122] : memref<1000000x32xf32, #tpu.memory_space<hbm>> -> memref<1000000x32xf32, #tpu.memory_space<hbm>>
    tpu.enqueue_indirect_dma source(%dma_start3A_123 : memref<1000000x32xf32, #tpu.memory_space<hbm>>) target(%dma_start3A_117 : memref<128x32xf32, #tpu.memory_space<vmem>>) offsets(%dma_start3A_120 : memref<128xi32, #tpu.memory_space<vmem>>) semaphore(%arg10 : memref<!tpu.dma_semaphore, #tpu.memory_space<semaphore_mem>>)
    %dma_start3A_124 = arith.constant 9 : i32
    %dma_start3A_125 = arith.constant 9 : i32
    %dma_start3A_126 = arith.constant 0 : i32
    %dma_start3A_127 = arith.constant 0 : i32
    %dma_start3A_128 = tpu.memref_slice %arg7[%dma_start3A_125, %dma_start3A_126, %dma_start3A_127] : memref<10x128x32xf32, #tpu.memory_space<vmem>> -> memref<1x128x32xf32, #tpu.memory_space<vmem>>
    %dma_start3A_129 = tpu.memref_squeeze %dma_start3A_128 : memref<1x128x32xf32, #tpu.memory_space<vmem>> -> memref<128x32xf32, #tpu.memory_space<vmem>>
    %dma_start3A_130 = arith.constant 0 : i32
    %dma_start3A_131 = tpu.memref_slice %arg5[%dma_start3A_124, %dma_start3A_130] : memref<10x128xi32, #tpu.memory_space<vmem>> -> memref<1x128xi32, #tpu.memory_space<vmem>>
    %dma_start3A_132 = tpu.memref_squeeze %dma_start3A_131 : memref<1x128xi32, #tpu.memory_space<vmem>> -> memref<128xi32, #tpu.memory_space<vmem>>
    %dma_start3A_133 = arith.constant 0 : i32
    %dma_start3A_134 = arith.constant 0 : i32
    %dma_start3A_135 = tpu.memref_slice %arg3[%dma_start3A_133, %dma_start3A_134] : memref<1000000x32xf32, #tpu.memory_space<hbm>> -> memref<1000000x32xf32, #tpu.memory_space<hbm>>
    tpu.enqueue_indirect_dma source(%dma_start3A_135 : memref<1000000x32xf32, #tpu.memory_space<hbm>>) target(%dma_start3A_129 : memref<128x32xf32, #tpu.memory_space<vmem>>) offsets(%dma_start3A_132 : memref<128xi32, #tpu.memory_space<vmem>>) semaphore(%arg10 : memref<!tpu.dma_semaphore, #tpu.memory_space<semaphore_mem>>)
    %scan3A = arith.constant 0 : i32
    %scan3A_136 = arith.constant 0 : i32
    %scan3A_137 = arith.constant 10 : i32
    %scan3A_138 = arith.addi %scan3A_136, %scan3A_137 : i32
    %scan3A_139 = arith.constant 1 : i32
    scf.for %scan3A_141 = %scan3A_136 to %scan3A_138 step %scan3A_139  : i32 {
      %mul3A_142 = arith.constant 2 : i32
      %mul3A_143 = arith.muli %mul3A_142, %scan3A_141 : i32
      %add3A_144 = arith.constant 1 : i32
      %add3A_145 = arith.addi %mul3A_143, %add3A_144 : i32
      %mul3A_146 = arith.constant 4 : i32
      %mul3A_147 = arith.muli %add3A, %mul3A_146 : i32
      %div3A_148 = arith.constant 5 : i32
      %div3A_149 = arith.divsi %add3A_145, %div3A_148 : i32
      %add3A_150 = arith.addi %mul3A_147, %div3A_149 : i32
      %rem3A_151 = arith.constant 5 : i32
      %rem3A_152 = arith.remsi %add3A_145, %rem3A_151 : i32
      %mul3A_153 = arith.constant 10 : i32
      %mul3A_154 = arith.muli %rem3A_152, %mul3A_153 : i32
      %mul3A_155 = arith.constant 128 : i32
      %mul3A_156 = arith.muli %add3A_150, %mul3A_155 : i32
      "tpu.region"() ({
        %run_scoped3A = tpu.sem_alloc : memref<!tpu.dma_semaphore, #tpu.memory_space<semaphore_mem>>
        %dma_start3A_550 = tpu.memref_slice %arg2[%mul3A_154, %mul3A_156] : memref<50x16384xi32, #tpu.memory_space<hbm>> -> memref<10x128xi32, #tpu.memory_space<hbm>>
        %dma_start3A_551 = tpu.memref_slice %arg2[%mul3A_154, %mul3A_156] : memref<50x16384xi32, #tpu.memory_space<hbm>> -> memref<10x128xi32, #tpu.memory_space<hbm>>
        tpu.enqueue_dma source(%dma_start3A_551 : memref<10x128xi32, #tpu.memory_space<hbm>>) target(%arg6 : memref<10x128xi32, #tpu.memory_space<vmem>>) target_semaphore(%run_scoped3A : memref<!tpu.dma_semaphore, #tpu.memory_space<semaphore_mem>>)
        %dma_wait3A_552 = tpu.memref_slice %arg2[%mul3A_154, %mul3A_156] : memref<50x16384xi32, #tpu.memory_space<hbm>> -> memref<10x128xi32, #tpu.memory_space<hbm>>
        %dma_wait3A_553 = tpu.memref_slice %arg2[%mul3A_154, %mul3A_156] : memref<50x16384xi32, #tpu.memory_space<hbm>> -> memref<10x128xi32, #tpu.memory_space<hbm>>
        tpu.wait_dma2 semaphore(%run_scoped3A : memref<!tpu.dma_semaphore, #tpu.memory_space<semaphore_mem>>) src(%dma_wait3A_553 : memref<10x128xi32, #tpu.memory_space<hbm>>) dst(%arg6 : memref<10x128xi32, #tpu.memory_space<vmem>>)
        tpu.yield
      }) : () -> ()
      %dma_start3A_157 = arith.constant 0 : i32
      %dma_start3A_158 = arith.constant 0 : i32
      %dma_start3A_159 = arith.constant 0 : i32
      %dma_start3A_160 = arith.constant 0 : i32
      %dma_start3A_161 = tpu.memref_slice %arg8[%dma_start3A_158, %dma_start3A_159, %dma_start3A_160] : memref<10x128x32xf32, #tpu.memory_space<vmem>> -> memref<1x128x32xf32, #tpu.memory_space<vmem>>
      %dma_start3A_162 = tpu.memref_squeeze %dma_start3A_161 : memref<1x128x32xf32, #tpu.memory_space<vmem>> -> memref<128x32xf32, #tpu.memory_space<vmem>>
      %dma_start3A_163 = arith.constant 0 : i32
      %dma_start3A_164 = tpu.memref_slice %arg6[%dma_start3A_157, %dma_start3A_163] : memref<10x128xi32, #tpu.memory_space<vmem>> -> memref<1x128xi32, #tpu.memory_space<vmem>>
      %dma_start3A_165 = tpu.memref_squeeze %dma_start3A_164 : memref<1x128xi32, #tpu.memory_space<vmem>> -> memref<128xi32, #tpu.memory_space<vmem>>
      %dma_start3A_166 = arith.constant 0 : i32
      %dma_start3A_167 = arith.constant 0 : i32
      %dma_start3A_168 = tpu.memref_slice %arg3[%dma_start3A_166, %dma_start3A_167] : memref<1000000x32xf32, #tpu.memory_space<hbm>> -> memref<1000000x32xf32, #tpu.memory_space<hbm>>
      tpu.enqueue_indirect_dma source(%dma_start3A_168 : memref<1000000x32xf32, #tpu.memory_space<hbm>>) target(%dma_start3A_162 : memref<128x32xf32, #tpu.memory_space<vmem>>) offsets(%dma_start3A_165 : memref<128xi32, #tpu.memory_space<vmem>>) semaphore(%arg11 : memref<!tpu.dma_semaphore, #tpu.memory_space<semaphore_mem>>)
      %dma_start3A_169 = arith.constant 1 : i32
      %dma_start3A_170 = arith.constant 1 : i32
      %dma_start3A_171 = arith.constant 0 : i32
      %dma_start3A_172 = arith.constant 0 : i32
      %dma_start3A_173 = tpu.memref_slice %arg8[%dma_start3A_170, %dma_start3A_171, %dma_start3A_172] : memref<10x128x32xf32, #tpu.memory_space<vmem>> -> memref<1x128x32xf32, #tpu.memory_space<vmem>>
      %dma_start3A_174 = tpu.memref_squeeze %dma_start3A_173 : memref<1x128x32xf32, #tpu.memory_space<vmem>> -> memref<128x32xf32, #tpu.memory_space<vmem>>
      %dma_start3A_175 = arith.constant 0 : i32
      %dma_start3A_176 = tpu.memref_slice %arg6[%dma_start3A_169, %dma_start3A_175] : memref<10x128xi32, #tpu.memory_space<vmem>> -> memref<1x128xi32, #tpu.memory_space<vmem>>
      %dma_start3A_177 = tpu.memref_squeeze %dma_start3A_176 : memref<1x128xi32, #tpu.memory_space<vmem>> -> memref<128xi32, #tpu.memory_space<vmem>>
      %dma_start3A_178 = arith.constant 0 : i32
      %dma_start3A_179 = arith.constant 0 : i32
      %dma_start3A_180 = tpu.memref_slice %arg3[%dma_start3A_178, %dma_start3A_179] : memref<1000000x32xf32, #tpu.memory_space<hbm>> -> memref<1000000x32xf32, #tpu.memory_space<hbm>>
      tpu.enqueue_indirect_dma source(%dma_start3A_180 : memref<1000000x32xf32, #tpu.memory_space<hbm>>) target(%dma_start3A_174 : memref<128x32xf32, #tpu.memory_space<vmem>>) offsets(%dma_start3A_177 : memref<128xi32, #tpu.memory_space<vmem>>) semaphore(%arg11 : memref<!tpu.dma_semaphore, #tpu.memory_space<semaphore_mem>>)
      %dma_start3A_181 = arith.constant 2 : i32
      %dma_start3A_182 = arith.constant 2 : i32
      %dma_start3A_183 = arith.constant 0 : i32
      %dma_start3A_184 = arith.constant 0 : i32
      %dma_start3A_185 = tpu.memref_slice %arg8[%dma_start3A_182, %dma_start3A_183, %dma_start3A_184] : memref<10x128x32xf32, #tpu.memory_space<vmem>> -> memref<1x128x32xf32, #tpu.memory_space<vmem>>
      %dma_start3A_186 = tpu.memref_squeeze %dma_start3A_185 : memref<1x128x32xf32, #tpu.memory_space<vmem>> -> memref<128x32xf32, #tpu.memory_space<vmem>>
      %dma_start3A_187 = arith.constant 0 : i32
      %dma_start3A_188 = tpu.memref_slice %arg6[%dma_start3A_181, %dma_start3A_187] : memref<10x128xi32, #tpu.memory_space<vmem>> -> memref<1x128xi32, #tpu.memory_space<vmem>>
      %dma_start3A_189 = tpu.memref_squeeze %dma_start3A_188 : memref<1x128xi32, #tpu.memory_space<vmem>> -> memref<128xi32, #tpu.memory_space<vmem>>
      %dma_start3A_190 = arith.constant 0 : i32
      %dma_start3A_191 = arith.constant 0 : i32
      %dma_start3A_192 = tpu.memref_slice %arg3[%dma_start3A_190, %dma_start3A_191] : memref<1000000x32xf32, #tpu.memory_space<hbm>> -> memref<1000000x32xf32, #tpu.memory_space<hbm>>
      tpu.enqueue_indirect_dma source(%dma_start3A_192 : memref<1000000x32xf32, #tpu.memory_space<hbm>>) target(%dma_start3A_186 : memref<128x32xf32, #tpu.memory_space<vmem>>) offsets(%dma_start3A_189 : memref<128xi32, #tpu.memory_space<vmem>>) semaphore(%arg11 : memref<!tpu.dma_semaphore, #tpu.memory_space<semaphore_mem>>)
      %dma_start3A_193 = arith.constant 3 : i32
      %dma_start3A_194 = arith.constant 3 : i32
      %dma_start3A_195 = arith.constant 0 : i32
      %dma_start3A_196 = arith.constant 0 : i32
      %dma_start3A_197 = tpu.memref_slice %arg8[%dma_start3A_194, %dma_start3A_195, %dma_start3A_196] : memref<10x128x32xf32, #tpu.memory_space<vmem>> -> memref<1x128x32xf32, #tpu.memory_space<vmem>>
      %dma_start3A_198 = tpu.memref_squeeze %dma_start3A_197 : memref<1x128x32xf32, #tpu.memory_space<vmem>> -> memref<128x32xf32, #tpu.memory_space<vmem>>
      %dma_start3A_199 = arith.constant 0 : i32
      %dma_start3A_200 = tpu.memref_slice %arg6[%dma_start3A_193, %dma_start3A_199] : memref<10x128xi32, #tpu.memory_space<vmem>> -> memref<1x128xi32, #tpu.memory_space<vmem>>
      %dma_start3A_201 = tpu.memref_squeeze %dma_start3A_200 : memref<1x128xi32, #tpu.memory_space<vmem>> -> memref<128xi32, #tpu.memory_space<vmem>>
      %dma_start3A_202 = arith.constant 0 : i32
      %dma_start3A_203 = arith.constant 0 : i32
      %dma_start3A_204 = tpu.memref_slice %arg3[%dma_start3A_202, %dma_start3A_203] : memref<1000000x32xf32, #tpu.memory_space<hbm>> -> memref<1000000x32xf32, #tpu.memory_space<hbm>>
      tpu.enqueue_indirect_dma source(%dma_start3A_204 : memref<1000000x32xf32, #tpu.memory_space<hbm>>) target(%dma_start3A_198 : memref<128x32xf32, #tpu.memory_space<vmem>>) offsets(%dma_start3A_201 : memref<128xi32, #tpu.memory_space<vmem>>) semaphore(%arg11 : memref<!tpu.dma_semaphore, #tpu.memory_space<semaphore_mem>>)
      %dma_start3A_205 = arith.constant 4 : i32
      %dma_start3A_206 = arith.constant 4 : i32
      %dma_start3A_207 = arith.constant 0 : i32
      %dma_start3A_208 = arith.constant 0 : i32
      %dma_start3A_209 = tpu.memref_slice %arg8[%dma_start3A_206, %dma_start3A_207, %dma_start3A_208] : memref<10x128x32xf32, #tpu.memory_space<vmem>> -> memref<1x128x32xf32, #tpu.memory_space<vmem>>
      %dma_start3A_210 = tpu.memref_squeeze %dma_start3A_209 : memref<1x128x32xf32, #tpu.memory_space<vmem>> -> memref<128x32xf32, #tpu.memory_space<vmem>>
      %dma_start3A_211 = arith.constant 0 : i32
      %dma_start3A_212 = tpu.memref_slice %arg6[%dma_start3A_205, %dma_start3A_211] : memref<10x128xi32, #tpu.memory_space<vmem>> -> memref<1x128xi32, #tpu.memory_space<vmem>>
      %dma_start3A_213 = tpu.memref_squeeze %dma_start3A_212 : memref<1x128xi32, #tpu.memory_space<vmem>> -> memref<128xi32, #tpu.memory_space<vmem>>
      %dma_start3A_214 = arith.constant 0 : i32
      %dma_start3A_215 = arith.constant 0 : i32
      %dma_start3A_216 = tpu.memref_slice %arg3[%dma_start3A_214, %dma_start3A_215] : memref<1000000x32xf32, #tpu.memory_space<hbm>> -> memref<1000000x32xf32, #tpu.memory_space<hbm>>
      tpu.enqueue_indirect_dma source(%dma_start3A_216 : memref<1000000x32xf32, #tpu.memory_space<hbm>>) target(%dma_start3A_210 : memref<128x32xf32, #tpu.memory_space<vmem>>) offsets(%dma_start3A_213 : memref<128xi32, #tpu.memory_space<vmem>>) semaphore(%arg11 : memref<!tpu.dma_semaphore, #tpu.memory_space<semaphore_mem>>)
      %dma_start3A_217 = arith.constant 5 : i32
      %dma_start3A_218 = arith.constant 5 : i32
      %dma_start3A_219 = arith.constant 0 : i32
      %dma_start3A_220 = arith.constant 0 : i32
      %dma_start3A_221 = tpu.memref_slice %arg8[%dma_start3A_218, %dma_start3A_219, %dma_start3A_220] : memref<10x128x32xf32, #tpu.memory_space<vmem>> -> memref<1x128x32xf32, #tpu.memory_space<vmem>>
      %dma_start3A_222 = tpu.memref_squeeze %dma_start3A_221 : memref<1x128x32xf32, #tpu.memory_space<vmem>> -> memref<128x32xf32, #tpu.memory_space<vmem>>
      %dma_start3A_223 = arith.constant 0 : i32
      %dma_start3A_224 = tpu.memref_slice %arg6[%dma_start3A_217, %dma_start3A_223] : memref<10x128xi32, #tpu.memory_space<vmem>> -> memref<1x128xi32, #tpu.memory_space<vmem>>
      %dma_start3A_225 = tpu.memref_squeeze %dma_start3A_224 : memref<1x128xi32, #tpu.memory_space<vmem>> -> memref<128xi32, #tpu.memory_space<vmem>>
      %dma_start3A_226 = arith.constant 0 : i32
      %dma_start3A_227 = arith.constant 0 : i32
      %dma_start3A_228 = tpu.memref_slice %arg3[%dma_start3A_226, %dma_start3A_227] : memref<1000000x32xf32, #tpu.memory_space<hbm>> -> memref<1000000x32xf32, #tpu.memory_space<hbm>>
      tpu.enqueue_indirect_dma source(%dma_start3A_228 : memref<1000000x32xf32, #tpu.memory_space<hbm>>) target(%dma_start3A_222 : memref<128x32xf32, #tpu.memory_space<vmem>>) offsets(%dma_start3A_225 : memref<128xi32, #tpu.memory_space<vmem>>) semaphore(%arg11 : memref<!tpu.dma_semaphore, #tpu.memory_space<semaphore_mem>>)
      %dma_start3A_229 = arith.constant 6 : i32
      %dma_start3A_230 = arith.constant 6 : i32
      %dma_start3A_231 = arith.constant 0 : i32
      %dma_start3A_232 = arith.constant 0 : i32
      %dma_start3A_233 = tpu.memref_slice %arg8[%dma_start3A_230, %dma_start3A_231, %dma_start3A_232] : memref<10x128x32xf32, #tpu.memory_space<vmem>> -> memref<1x128x32xf32, #tpu.memory_space<vmem>>
      %dma_start3A_234 = tpu.memref_squeeze %dma_start3A_233 : memref<1x128x32xf32, #tpu.memory_space<vmem>> -> memref<128x32xf32, #tpu.memory_space<vmem>>
      %dma_start3A_235 = arith.constant 0 : i32
      %dma_start3A_236 = tpu.memref_slice %arg6[%dma_start3A_229, %dma_start3A_235] : memref<10x128xi32, #tpu.memory_space<vmem>> -> memref<1x128xi32, #tpu.memory_space<vmem>>
      %dma_start3A_237 = tpu.memref_squeeze %dma_start3A_236 : memref<1x128xi32, #tpu.memory_space<vmem>> -> memref<128xi32, #tpu.memory_space<vmem>>
      %dma_start3A_238 = arith.constant 0 : i32
      %dma_start3A_239 = arith.constant 0 : i32
      %dma_start3A_240 = tpu.memref_slice %arg3[%dma_start3A_238, %dma_start3A_239] : memref<1000000x32xf32, #tpu.memory_space<hbm>> -> memref<1000000x32xf32, #tpu.memory_space<hbm>>
      tpu.enqueue_indirect_dma source(%dma_start3A_240 : memref<1000000x32xf32, #tpu.memory_space<hbm>>) target(%dma_start3A_234 : memref<128x32xf32, #tpu.memory_space<vmem>>) offsets(%dma_start3A_237 : memref<128xi32, #tpu.memory_space<vmem>>) semaphore(%arg11 : memref<!tpu.dma_semaphore, #tpu.memory_space<semaphore_mem>>)
      %dma_start3A_241 = arith.constant 7 : i32
      %dma_start3A_242 = arith.constant 7 : i32
      %dma_start3A_243 = arith.constant 0 : i32
      %dma_start3A_244 = arith.constant 0 : i32
      %dma_start3A_245 = tpu.memref_slice %arg8[%dma_start3A_242, %dma_start3A_243, %dma_start3A_244] : memref<10x128x32xf32, #tpu.memory_space<vmem>> -> memref<1x128x32xf32, #tpu.memory_space<vmem>>
      %dma_start3A_246 = tpu.memref_squeeze %dma_start3A_245 : memref<1x128x32xf32, #tpu.memory_space<vmem>> -> memref<128x32xf32, #tpu.memory_space<vmem>>
      %dma_start3A_247 = arith.constant 0 : i32
      %dma_start3A_248 = tpu.memref_slice %arg6[%dma_start3A_241, %dma_start3A_247] : memref<10x128xi32, #tpu.memory_space<vmem>> -> memref<1x128xi32, #tpu.memory_space<vmem>>
      %dma_start3A_249 = tpu.memref_squeeze %dma_start3A_248 : memref<1x128xi32, #tpu.memory_space<vmem>> -> memref<128xi32, #tpu.memory_space<vmem>>
      %dma_start3A_250 = arith.constant 0 : i32
      %dma_start3A_251 = arith.constant 0 : i32
      %dma_start3A_252 = tpu.memref_slice %arg3[%dma_start3A_250, %dma_start3A_251] : memref<1000000x32xf32, #tpu.memory_space<hbm>> -> memref<1000000x32xf32, #tpu.memory_space<hbm>>
      tpu.enqueue_indirect_dma source(%dma_start3A_252 : memref<1000000x32xf32, #tpu.memory_space<hbm>>) target(%dma_start3A_246 : memref<128x32xf32, #tpu.memory_space<vmem>>) offsets(%dma_start3A_249 : memref<128xi32, #tpu.memory_space<vmem>>) semaphore(%arg11 : memref<!tpu.dma_semaphore, #tpu.memory_space<semaphore_mem>>)
      %dma_start3A_253 = arith.constant 8 : i32
      %dma_start3A_254 = arith.constant 8 : i32
      %dma_start3A_255 = arith.constant 0 : i32
      %dma_start3A_256 = arith.constant 0 : i32
      %dma_start3A_257 = tpu.memref_slice %arg8[%dma_start3A_254, %dma_start3A_255, %dma_start3A_256] : memref<10x128x32xf32, #tpu.memory_space<vmem>> -> memref<1x128x32xf32, #tpu.memory_space<vmem>>
      %dma_start3A_258 = tpu.memref_squeeze %dma_start3A_257 : memref<1x128x32xf32, #tpu.memory_space<vmem>> -> memref<128x32xf32, #tpu.memory_space<vmem>>
      %dma_start3A_259 = arith.constant 0 : i32
      %dma_start3A_260 = tpu.memref_slice %arg6[%dma_start3A_253, %dma_start3A_259] : memref<10x128xi32, #tpu.memory_space<vmem>> -> memref<1x128xi32, #tpu.memory_space<vmem>>
      %dma_start3A_261 = tpu.memref_squeeze %dma_start3A_260 : memref<1x128xi32, #tpu.memory_space<vmem>> -> memref<128xi32, #tpu.memory_space<vmem>>
      %dma_start3A_262 = arith.constant 0 : i32
      %dma_start3A_263 = arith.constant 0 : i32
      %dma_start3A_264 = tpu.memref_slice %arg3[%dma_start3A_262, %dma_start3A_263] : memref<1000000x32xf32, #tpu.memory_space<hbm>> -> memref<1000000x32xf32, #tpu.memory_space<hbm>>
      tpu.enqueue_indirect_dma source(%dma_start3A_264 : memref<1000000x32xf32, #tpu.memory_space<hbm>>) target(%dma_start3A_258 : memref<128x32xf32, #tpu.memory_space<vmem>>) offsets(%dma_start3A_261 : memref<128xi32, #tpu.memory_space<vmem>>) semaphore(%arg11 : memref<!tpu.dma_semaphore, #tpu.memory_space<semaphore_mem>>)
      %dma_start3A_265 = arith.constant 9 : i32
      %dma_start3A_266 = arith.constant 9 : i32
      %dma_start3A_267 = arith.constant 0 : i32
      %dma_start3A_268 = arith.constant 0 : i32
      %dma_start3A_269 = tpu.memref_slice %arg8[%dma_start3A_266, %dma_start3A_267, %dma_start3A_268] : memref<10x128x32xf32, #tpu.memory_space<vmem>> -> memref<1x128x32xf32, #tpu.memory_space<vmem>>
      %dma_start3A_270 = tpu.memref_squeeze %dma_start3A_269 : memref<1x128x32xf32, #tpu.memory_space<vmem>> -> memref<128x32xf32, #tpu.memory_space<vmem>>
      %dma_start3A_271 = arith.constant 0 : i32
      %dma_start3A_272 = tpu.memref_slice %arg6[%dma_start3A_265, %dma_start3A_271] : memref<10x128xi32, #tpu.memory_space<vmem>> -> memref<1x128xi32, #tpu.memory_space<vmem>>
      %dma_start3A_273 = tpu.memref_squeeze %dma_start3A_272 : memref<1x128xi32, #tpu.memory_space<vmem>> -> memref<128xi32, #tpu.memory_space<vmem>>
      %dma_start3A_274 = arith.constant 0 : i32
      %dma_start3A_275 = arith.constant 0 : i32
      %dma_start3A_276 = tpu.memref_slice %arg3[%dma_start3A_274, %dma_start3A_275] : memref<1000000x32xf32, #tpu.memory_space<hbm>> -> memref<1000000x32xf32, #tpu.memory_space<hbm>>
      tpu.enqueue_indirect_dma source(%dma_start3A_276 : memref<1000000x32xf32, #tpu.memory_space<hbm>>) target(%dma_start3A_270 : memref<128x32xf32, #tpu.memory_space<vmem>>) offsets(%dma_start3A_273 : memref<128xi32, #tpu.memory_space<vmem>>) semaphore(%arg11 : memref<!tpu.dma_semaphore, #tpu.memory_space<semaphore_mem>>)
      %dma_wait3A = arith.constant 0 : i32
      %dma_wait3A_277 = arith.constant 0 : i32
      %dma_wait3A_278 = arith.constant 0 : i32
      %dma_wait3A_279 = arith.constant 0 : i32
      %dma_wait3A_280 = tpu.memref_slice %arg7[%dma_wait3A_277, %dma_wait3A_278, %dma_wait3A_279] : memref<10x128x32xf32, #tpu.memory_space<vmem>> -> memref<1x128x32xf32, #tpu.memory_space<vmem>>
      %dma_wait3A_281 = tpu.memref_squeeze %dma_wait3A_280 : memref<1x128x32xf32, #tpu.memory_space<vmem>> -> memref<128x32xf32, #tpu.memory_space<vmem>>
      %dma_wait3A_282 = arith.constant 0 : i32
      %dma_wait3A_283 = tpu.memref_slice %arg5[%dma_wait3A, %dma_wait3A_282] : memref<10x128xi32, #tpu.memory_space<vmem>> -> memref<1x128xi32, #tpu.memory_space<vmem>>
      %dma_wait3A_284 = tpu.memref_squeeze %dma_wait3A_283 : memref<1x128xi32, #tpu.memory_space<vmem>> -> memref<128xi32, #tpu.memory_space<vmem>>
      %dma_wait3A_285 = arith.constant 0 : i32
      %dma_wait3A_286 = arith.constant 0 : i32
      %dma_wait3A_287 = tpu.memref_slice %arg3[%dma_wait3A_285, %dma_wait3A_286] : memref<1000000x32xf32, #tpu.memory_space<hbm>> -> memref<1000000x32xf32, #tpu.memory_space<hbm>>
      tpu.wait_indirect_dma semaphore(%arg10 : memref<!tpu.dma_semaphore, #tpu.memory_space<semaphore_mem>>) src(%dma_wait3A_287 : memref<1000000x32xf32, #tpu.memory_space<hbm>>) dst(%dma_wait3A_281 : memref<128x32xf32, #tpu.memory_space<vmem>>)
      %dma_wait3A_288 = arith.constant 1 : i32
      %dma_wait3A_289 = arith.constant 1 : i32
      %dma_wait3A_290 = arith.constant 0 : i32
      %dma_wait3A_291 = arith.constant 0 : i32
      %dma_wait3A_292 = tpu.memref_slice %arg7[%dma_wait3A_289, %dma_wait3A_290, %dma_wait3A_291] : memref<10x128x32xf32, #tpu.memory_space<vmem>> -> memref<1x128x32xf32, #tpu.memory_space<vmem>>
      %dma_wait3A_293 = tpu.memref_squeeze %dma_wait3A_292 : memref<1x128x32xf32, #tpu.memory_space<vmem>> -> memref<128x32xf32, #tpu.memory_space<vmem>>
      %dma_wait3A_294 = arith.constant 0 : i32
      %dma_wait3A_295 = tpu.memref_slice %arg5[%dma_wait3A_288, %dma_wait3A_294] : memref<10x128xi32, #tpu.memory_space<vmem>> -> memref<1x128xi32, #tpu.memory_space<vmem>>
      %dma_wait3A_296 = tpu.memref_squeeze %dma_wait3A_295 : memref<1x128xi32, #tpu.memory_space<vmem>> -> memref<128xi32, #tpu.memory_space<vmem>>
      %dma_wait3A_297 = arith.constant 0 : i32
      %dma_wait3A_298 = arith.constant 0 : i32
      %dma_wait3A_299 = tpu.memref_slice %arg3[%dma_wait3A_297, %dma_wait3A_298] : memref<1000000x32xf32, #tpu.memory_space<hbm>> -> memref<1000000x32xf32, #tpu.memory_space<hbm>>
      tpu.wait_indirect_dma semaphore(%arg10 : memref<!tpu.dma_semaphore, #tpu.memory_space<semaphore_mem>>) src(%dma_wait3A_299 : memref<1000000x32xf32, #tpu.memory_space<hbm>>) dst(%dma_wait3A_293 : memref<128x32xf32, #tpu.memory_space<vmem>>)
      %dma_wait3A_300 = arith.constant 2 : i32
      %dma_wait3A_301 = arith.constant 2 : i32
      %dma_wait3A_302 = arith.constant 0 : i32
      %dma_wait3A_303 = arith.constant 0 : i32
      %dma_wait3A_304 = tpu.memref_slice %arg7[%dma_wait3A_301, %dma_wait3A_302, %dma_wait3A_303] : memref<10x128x32xf32, #tpu.memory_space<vmem>> -> memref<1x128x32xf32, #tpu.memory_space<vmem>>
      %dma_wait3A_305 = tpu.memref_squeeze %dma_wait3A_304 : memref<1x128x32xf32, #tpu.memory_space<vmem>> -> memref<128x32xf32, #tpu.memory_space<vmem>>
      %dma_wait3A_306 = arith.constant 0 : i32
      %dma_wait3A_307 = tpu.memref_slice %arg5[%dma_wait3A_300, %dma_wait3A_306] : memref<10x128xi32, #tpu.memory_space<vmem>> -> memref<1x128xi32, #tpu.memory_space<vmem>>
      %dma_wait3A_308 = tpu.memref_squeeze %dma_wait3A_307 : memref<1x128xi32, #tpu.memory_space<vmem>> -> memref<128xi32, #tpu.memory_space<vmem>>
      %dma_wait3A_309 = arith.constant 0 : i32
      %dma_wait3A_310 = arith.constant 0 : i32
      %dma_wait3A_311 = tpu.memref_slice %arg3[%dma_wait3A_309, %dma_wait3A_310] : memref<1000000x32xf32, #tpu.memory_space<hbm>> -> memref<1000000x32xf32, #tpu.memory_space<hbm>>
      tpu.wait_indirect_dma semaphore(%arg10 : memref<!tpu.dma_semaphore, #tpu.memory_space<semaphore_mem>>) src(%dma_wait3A_311 : memref<1000000x32xf32, #tpu.memory_space<hbm>>) dst(%dma_wait3A_305 : memref<128x32xf32, #tpu.memory_space<vmem>>)
      %dma_wait3A_312 = arith.constant 3 : i32
      %dma_wait3A_313 = arith.constant 3 : i32
      %dma_wait3A_314 = arith.constant 0 : i32
      %dma_wait3A_315 = arith.constant 0 : i32
      %dma_wait3A_316 = tpu.memref_slice %arg7[%dma_wait3A_313, %dma_wait3A_314, %dma_wait3A_315] : memref<10x128x32xf32, #tpu.memory_space<vmem>> -> memref<1x128x32xf32, #tpu.memory_space<vmem>>
      %dma_wait3A_317 = tpu.memref_squeeze %dma_wait3A_316 : memref<1x128x32xf32, #tpu.memory_space<vmem>> -> memref<128x32xf32, #tpu.memory_space<vmem>>
      %dma_wait3A_318 = arith.constant 0 : i32
      %dma_wait3A_319 = tpu.memref_slice %arg5[%dma_wait3A_312, %dma_wait3A_318] : memref<10x128xi32, #tpu.memory_space<vmem>> -> memref<1x128xi32, #tpu.memory_space<vmem>>
      %dma_wait3A_320 = tpu.memref_squeeze %dma_wait3A_319 : memref<1x128xi32, #tpu.memory_space<vmem>> -> memref<128xi32, #tpu.memory_space<vmem>>
      %dma_wait3A_321 = arith.constant 0 : i32
      %dma_wait3A_322 = arith.constant 0 : i32
      %dma_wait3A_323 = tpu.memref_slice %arg3[%dma_wait3A_321, %dma_wait3A_322] : memref<1000000x32xf32, #tpu.memory_space<hbm>> -> memref<1000000x32xf32, #tpu.memory_space<hbm>>
      tpu.wait_indirect_dma semaphore(%arg10 : memref<!tpu.dma_semaphore, #tpu.memory_space<semaphore_mem>>) src(%dma_wait3A_323 : memref<1000000x32xf32, #tpu.memory_space<hbm>>) dst(%dma_wait3A_317 : memref<128x32xf32, #tpu.memory_space<vmem>>)
      %dma_wait3A_324 = arith.constant 4 : i32
      %dma_wait3A_325 = arith.constant 4 : i32
      %dma_wait3A_326 = arith.constant 0 : i32
      %dma_wait3A_327 = arith.constant 0 : i32
      %dma_wait3A_328 = tpu.memref_slice %arg7[%dma_wait3A_325, %dma_wait3A_326, %dma_wait3A_327] : memref<10x128x32xf32, #tpu.memory_space<vmem>> -> memref<1x128x32xf32, #tpu.memory_space<vmem>>
      %dma_wait3A_329 = tpu.memref_squeeze %dma_wait3A_328 : memref<1x128x32xf32, #tpu.memory_space<vmem>> -> memref<128x32xf32, #tpu.memory_space<vmem>>
      %dma_wait3A_330 = arith.constant 0 : i32
      %dma_wait3A_331 = tpu.memref_slice %arg5[%dma_wait3A_324, %dma_wait3A_330] : memref<10x128xi32, #tpu.memory_space<vmem>> -> memref<1x128xi32, #tpu.memory_space<vmem>>
      %dma_wait3A_332 = tpu.memref_squeeze %dma_wait3A_331 : memref<1x128xi32, #tpu.memory_space<vmem>> -> memref<128xi32, #tpu.memory_space<vmem>>
      %dma_wait3A_333 = arith.constant 0 : i32
      %dma_wait3A_334 = arith.constant 0 : i32
      %dma_wait3A_335 = tpu.memref_slice %arg3[%dma_wait3A_333, %dma_wait3A_334] : memref<1000000x32xf32, #tpu.memory_space<hbm>> -> memref<1000000x32xf32, #tpu.memory_space<hbm>>
      tpu.wait_indirect_dma semaphore(%arg10 : memref<!tpu.dma_semaphore, #tpu.memory_space<semaphore_mem>>) src(%dma_wait3A_335 : memref<1000000x32xf32, #tpu.memory_space<hbm>>) dst(%dma_wait3A_329 : memref<128x32xf32, #tpu.memory_space<vmem>>)
      %dma_wait3A_336 = arith.constant 5 : i32
      %dma_wait3A_337 = arith.constant 5 : i32
      %dma_wait3A_338 = arith.constant 0 : i32
      %dma_wait3A_339 = arith.constant 0 : i32
      %dma_wait3A_340 = tpu.memref_slice %arg7[%dma_wait3A_337, %dma_wait3A_338, %dma_wait3A_339] : memref<10x128x32xf32, #tpu.memory_space<vmem>> -> memref<1x128x32xf32, #tpu.memory_space<vmem>>
      %dma_wait3A_341 = tpu.memref_squeeze %dma_wait3A_340 : memref<1x128x32xf32, #tpu.memory_space<vmem>> -> memref<128x32xf32, #tpu.memory_space<vmem>>
      %dma_wait3A_342 = arith.constant 0 : i32
      %dma_wait3A_343 = tpu.memref_slice %arg5[%dma_wait3A_336, %dma_wait3A_342] : memref<10x128xi32, #tpu.memory_space<vmem>> -> memref<1x128xi32, #tpu.memory_space<vmem>>
      %dma_wait3A_344 = tpu.memref_squeeze %dma_wait3A_343 : memref<1x128xi32, #tpu.memory_space<vmem>> -> memref<128xi32, #tpu.memory_space<vmem>>
      %dma_wait3A_345 = arith.constant 0 : i32
      %dma_wait3A_346 = arith.constant 0 : i32
      %dma_wait3A_347 = tpu.memref_slice %arg3[%dma_wait3A_345, %dma_wait3A_346] : memref<1000000x32xf32, #tpu.memory_space<hbm>> -> memref<1000000x32xf32, #tpu.memory_space<hbm>>
      tpu.wait_indirect_dma semaphore(%arg10 : memref<!tpu.dma_semaphore, #tpu.memory_space<semaphore_mem>>) src(%dma_wait3A_347 : memref<1000000x32xf32, #tpu.memory_space<hbm>>) dst(%dma_wait3A_341 : memref<128x32xf32, #tpu.memory_space<vmem>>)
      %dma_wait3A_348 = arith.constant 6 : i32
      %dma_wait3A_349 = arith.constant 6 : i32
      %dma_wait3A_350 = arith.constant 0 : i32
      %dma_wait3A_351 = arith.constant 0 : i32
      %dma_wait3A_352 = tpu.memref_slice %arg7[%dma_wait3A_349, %dma_wait3A_350, %dma_wait3A_351] : memref<10x128x32xf32, #tpu.memory_space<vmem>> -> memref<1x128x32xf32, #tpu.memory_space<vmem>>
      %dma_wait3A_353 = tpu.memref_squeeze %dma_wait3A_352 : memref<1x128x32xf32, #tpu.memory_space<vmem>> -> memref<128x32xf32, #tpu.memory_space<vmem>>
      %dma_wait3A_354 = arith.constant 0 : i32
      %dma_wait3A_355 = tpu.memref_slice %arg5[%dma_wait3A_348, %dma_wait3A_354] : memref<10x128xi32, #tpu.memory_space<vmem>> -> memref<1x128xi32, #tpu.memory_space<vmem>>
      %dma_wait3A_356 = tpu.memref_squeeze %dma_wait3A_355 : memref<1x128xi32, #tpu.memory_space<vmem>> -> memref<128xi32, #tpu.memory_space<vmem>>
      %dma_wait3A_357 = arith.constant 0 : i32
      %dma_wait3A_358 = arith.constant 0 : i32
      %dma_wait3A_359 = tpu.memref_slice %arg3[%dma_wait3A_357, %dma_wait3A_358] : memref<1000000x32xf32, #tpu.memory_space<hbm>> -> memref<1000000x32xf32, #tpu.memory_space<hbm>>
      tpu.wait_indirect_dma semaphore(%arg10 : memref<!tpu.dma_semaphore, #tpu.memory_space<semaphore_mem>>) src(%dma_wait3A_359 : memref<1000000x32xf32, #tpu.memory_space<hbm>>) dst(%dma_wait3A_353 : memref<128x32xf32, #tpu.memory_space<vmem>>)
      %dma_wait3A_360 = arith.constant 7 : i32
      %dma_wait3A_361 = arith.constant 7 : i32
      %dma_wait3A_362 = arith.constant 0 : i32
      %dma_wait3A_363 = arith.constant 0 : i32
      %dma_wait3A_364 = tpu.memref_slice %arg7[%dma_wait3A_361, %dma_wait3A_362, %dma_wait3A_363] : memref<10x128x32xf32, #tpu.memory_space<vmem>> -> memref<1x128x32xf32, #tpu.memory_space<vmem>>
      %dma_wait3A_365 = tpu.memref_squeeze %dma_wait3A_364 : memref<1x128x32xf32, #tpu.memory_space<vmem>> -> memref<128x32xf32, #tpu.memory_space<vmem>>
      %dma_wait3A_366 = arith.constant 0 : i32
      %dma_wait3A_367 = tpu.memref_slice %arg5[%dma_wait3A_360, %dma_wait3A_366] : memref<10x128xi32, #tpu.memory_space<vmem>> -> memref<1x128xi32, #tpu.memory_space<vmem>>
      %dma_wait3A_368 = tpu.memref_squeeze %dma_wait3A_367 : memref<1x128xi32, #tpu.memory_space<vmem>> -> memref<128xi32, #tpu.memory_space<vmem>>
      %dma_wait3A_369 = arith.constant 0 : i32
      %dma_wait3A_370 = arith.constant 0 : i32
      %dma_wait3A_371 = tpu.memref_slice %arg3[%dma_wait3A_369, %dma_wait3A_370] : memref<1000000x32xf32, #tpu.memory_space<hbm>> -> memref<1000000x32xf32, #tpu.memory_space<hbm>>
      tpu.wait_indirect_dma semaphore(%arg10 : memref<!tpu.dma_semaphore, #tpu.memory_space<semaphore_mem>>) src(%dma_wait3A_371 : memref<1000000x32xf32, #tpu.memory_space<hbm>>) dst(%dma_wait3A_365 : memref<128x32xf32, #tpu.memory_space<vmem>>)
      %dma_wait3A_372 = arith.constant 8 : i32
      %dma_wait3A_373 = arith.constant 8 : i32
      %dma_wait3A_374 = arith.constant 0 : i32
      %dma_wait3A_375 = arith.constant 0 : i32
      %dma_wait3A_376 = tpu.memref_slice %arg7[%dma_wait3A_373, %dma_wait3A_374, %dma_wait3A_375] : memref<10x128x32xf32, #tpu.memory_space<vmem>> -> memref<1x128x32xf32, #tpu.memory_space<vmem>>
      %dma_wait3A_377 = tpu.memref_squeeze %dma_wait3A_376 : memref<1x128x32xf32, #tpu.memory_space<vmem>> -> memref<128x32xf32, #tpu.memory_space<vmem>>
      %dma_wait3A_378 = arith.constant 0 : i32
      %dma_wait3A_379 = tpu.memref_slice %arg5[%dma_wait3A_372, %dma_wait3A_378] : memref<10x128xi32, #tpu.memory_space<vmem>> -> memref<1x128xi32, #tpu.memory_space<vmem>>
      %dma_wait3A_380 = tpu.memref_squeeze %dma_wait3A_379 : memref<1x128xi32, #tpu.memory_space<vmem>> -> memref<128xi32, #tpu.memory_space<vmem>>
      %dma_wait3A_381 = arith.constant 0 : i32
      %dma_wait3A_382 = arith.constant 0 : i32
      %dma_wait3A_383 = tpu.memref_slice %arg3[%dma_wait3A_381, %dma_wait3A_382] : memref<1000000x32xf32, #tpu.memory_space<hbm>> -> memref<1000000x32xf32, #tpu.memory_space<hbm>>
      tpu.wait_indirect_dma semaphore(%arg10 : memref<!tpu.dma_semaphore, #tpu.memory_space<semaphore_mem>>) src(%dma_wait3A_383 : memref<1000000x32xf32, #tpu.memory_space<hbm>>) dst(%dma_wait3A_377 : memref<128x32xf32, #tpu.memory_space<vmem>>)
      %dma_wait3A_384 = arith.constant 9 : i32
      %dma_wait3A_385 = arith.constant 9 : i32
      %dma_wait3A_386 = arith.constant 0 : i32
      %dma_wait3A_387 = arith.constant 0 : i32
      %dma_wait3A_388 = tpu.memref_slice %arg7[%dma_wait3A_385, %dma_wait3A_386, %dma_wait3A_387] : memref<10x128x32xf32, #tpu.memory_space<vmem>> -> memref<1x128x32xf32, #tpu.memory_space<vmem>>
      %dma_wait3A_389 = tpu.memref_squeeze %dma_wait3A_388 : memref<1x128x32xf32, #tpu.memory_space<vmem>> -> memref<128x32xf32, #tpu.memory_space<vmem>>
      %dma_wait3A_390 = arith.constant 0 : i32
      %dma_wait3A_391 = tpu.memref_slice %arg5[%dma_wait3A_384, %dma_wait3A_390] : memref<10x128xi32, #tpu.memory_space<vmem>> -> memref<1x128xi32, #tpu.memory_space<vmem>>
      %dma_wait3A_392 = tpu.memref_squeeze %dma_wait3A_391 : memref<1x128xi32, #tpu.memory_space<vmem>> -> memref<128xi32, #tpu.memory_space<vmem>>
      %dma_wait3A_393 = arith.constant 0 : i32
      %dma_wait3A_394 = arith.constant 0 : i32
      %dma_wait3A_395 = tpu.memref_slice %arg3[%dma_wait3A_393, %dma_wait3A_394] : memref<1000000x32xf32, #tpu.memory_space<hbm>> -> memref<1000000x32xf32, #tpu.memory_space<hbm>>
      tpu.wait_indirect_dma semaphore(%arg10 : memref<!tpu.dma_semaphore, #tpu.memory_space<semaphore_mem>>) src(%dma_wait3A_395 : memref<1000000x32xf32, #tpu.memory_space<hbm>>) dst(%dma_wait3A_389 : memref<128x32xf32, #tpu.memory_space<vmem>>)
      %mul3A_396 = arith.constant 4 : i32
      %mul3A_397 = arith.muli %add3A, %mul3A_396 : i32
      %div3A_398 = arith.constant 5 : i32
      %div3A_399 = arith.divsi %mul3A_143, %div3A_398 : i32
      %add3A_400 = arith.addi %mul3A_397, %div3A_399 : i32
      %rem3A_401 = arith.constant 5 : i32
      %rem3A_402 = arith.remsi %mul3A_143, %rem3A_401 : i32
      %mul3A_403 = arith.constant 10 : i32
      %mul3A_404 = arith.muli %rem3A_402, %mul3A_403 : i32
      %scan3A_405 = arith.constant 0 : i32
      %scan3A_406 = arith.constant 0 : i32
      %scan3A_407 = arith.constant 1280 : i32
      %scan3A_408 = arith.addi %scan3A_406, %scan3A_407 : i32
      %scan3A_409 = arith.constant 1 : i32
      scf.for %scan3A_550 = %scan3A_406 to %scan3A_408 step %scan3A_409  : i32 {
        %shift_right_logical3A = arith.constant 7 : i32
        %shift_right_logical3A_551 = arith.shrui %scan3A_550, %shift_right_logical3A : i32
        %and3A = arith.constant 127 : i32
        %and3A_552 = arith.andi %scan3A_550, %and3A : i32
        %mul3A_553 = arith.constant 4128 : i32
        %mul3A_554 = arith.muli %shift_right_logical3A_551, %mul3A_553 : i32
        %add3A_555 = arith.addi %mul3A_554, %and3A_552 : i32
        %broadcast_in_dim3A_556 = vector.broadcast %add3A_555 : i32 to vector<16xi32>
        %add3A_557 = arith.addi %broadcast_in_dim3A_556, %mul3A_5 : vector<16xi32>
        %get3A = arith.index_cast %shift_right_logical3A_551 : i32 to index
        %get3A_558 = arith.index_cast %and3A_552 : i32 to index
        %get3A_559 = arith.constant 0 : index
        %get3A_560 = tpu.vector_load %arg7[%get3A, %get3A_558, %get3A_559] {strides = array<i32>} : memref<10x128x32xf32, #tpu.memory_space<vmem>>, vector<16xf32>,
        %add3A_561 = arith.constant 0 : i32
        %add3A_562 = vector.broadcast %add3A_561 : i32 to vector<16xi32>
        %add3A_563 = arith.addi %add3A_557, %add3A_562 : vector<16xi32>
        tpu.vector_store_idx %arg9[%broadcast_in_dim3A_1, %broadcast_in_dim3A_1, %broadcast_in_dim3A_1, %add3A_563], %get3A_560 : memref<10x4x8x129xf32, #tpu.memory_space<vmem>>[vector<16xi32>, vector<16xi32>, vector<16xi32>, vector<16xi32>], vector<16xf32>,
        %get3A_564 = arith.index_cast %shift_right_logical3A_551 : i32 to index
        %get3A_565 = arith.index_cast %and3A_552 : i32 to index
        %get3A_566 = arith.constant 16 : index
        %get3A_567 = tpu.vector_load %arg7[%get3A_564, %get3A_565, %get3A_566] {strides = array<i32>} : memref<10x128x32xf32, #tpu.memory_space<vmem>>, vector<16xf32>,
        %add3A_568 = arith.constant 2064 : i32
        %add3A_569 = vector.broadcast %add3A_568 : i32 to vector<16xi32>
        %add3A_570 = arith.addi %add3A_557, %add3A_569 : vector<16xi32>
        tpu.vector_store_idx %arg9[%broadcast_in_dim3A_1, %broadcast_in_dim3A_1, %broadcast_in_dim3A_1, %add3A_570], %get3A_567 : memref<10x4x8x129xf32, #tpu.memory_space<vmem>>[vector<16xi32>, vector<16xi32>, vector<16xi32>, vector<16xi32>], vector<16xf32>,
      }
      %scan3A_410 = arith.constant 1280 : i32
      "tpu.region"() ({
        %run_scoped3A = tpu.sem_alloc : memref<!tpu.dma_semaphore, #tpu.memory_space<semaphore_mem>>
        %dma_start3A_550 = arith.constant 0 : i32
        %dma_start3A_551 = arith.constant 0 : i32
        %dma_start3A_552 = arith.constant 0 : i32
        %dma_start3A_553 = arith.constant 0 : i32
        %dma_start3A_554 = tpu.memref_slice %arg9[%dma_start3A_550, %dma_start3A_551, %dma_start3A_552, %dma_start3A_553] : memref<10x4x8x129xf32, #tpu.memory_space<vmem>> -> memref<10x4x8x128xf32, #tpu.memory_space<vmem>>
        %dma_start3A_555 = arith.constant 0 : i32
        %dma_start3A_556 = arith.constant 0 : i32
        %dma_start3A_557 = arith.constant 0 : i32
        %dma_start3A_558 = tpu.memref_slice %arg4[%mul3A_404, %dma_start3A_555, %add3A_400, %dma_start3A_556, %dma_start3A_557] : memref<50x4x128x8x128xf32, #tpu.memory_space<hbm>> -> memref<10x4x1x8x128xf32, #tpu.memory_space<hbm>>
        %dma_start3A_559 = tpu.memref_squeeze %dma_start3A_558 : memref<10x4x1x8x128xf32, #tpu.memory_space<hbm>> -> memref<10x4x8x128xf32, #tpu.memory_space<hbm>>
        %dma_start3A_560 = arith.constant 0 : i32
        %dma_start3A_561 = arith.constant 0 : i32
        %dma_start3A_562 = arith.constant 0 : i32
        %dma_start3A_563 = tpu.memref_slice %arg4[%mul3A_404, %dma_start3A_560, %add3A_400, %dma_start3A_561, %dma_start3A_562] : memref<50x4x128x8x128xf32, #tpu.memory_space<hbm>> -> memref<10x4x1x8x128xf32, #tpu.memory_space<hbm>>
        %dma_start3A_564 = tpu.memref_squeeze %dma_start3A_563 : memref<10x4x1x8x128xf32, #tpu.memory_space<hbm>> -> memref<10x4x8x128xf32, #tpu.memory_space<hbm>>
        %dma_start3A_565 = arith.constant 0 : i32
        %dma_start3A_566 = arith.constant 0 : i32
        %dma_start3A_567 = arith.constant 0 : i32
        %dma_start3A_568 = arith.constant 0 : i32
        %dma_start3A_569 = tpu.memref_slice %arg9[%dma_start3A_565, %dma_start3A_566, %dma_start3A_567, %dma_start3A_568] : memref<10x4x8x129xf32, #tpu.memory_space<vmem>> -> memref<10x4x8x128xf32, #tpu.memory_space<vmem>>
        tpu.enqueue_dma source(%dma_start3A_569 : memref<10x4x8x128xf32, #tpu.memory_space<vmem>>) target(%dma_start3A_564 : memref<10x4x8x128xf32, #tpu.memory_space<hbm>>) target_semaphore(%run_scoped3A : memref<!tpu.dma_semaphore, #tpu.memory_space<semaphore_mem>>)
        %dma_wait3A_570 = arith.constant 0 : i32
        %dma_wait3A_571 = arith.constant 0 : i32
        %dma_wait3A_572 = arith.constant 0 : i32
        %dma_wait3A_573 = arith.constant 0 : i32
        %dma_wait3A_574 = tpu.memref_slice %arg9[%dma_wait3A_570, %dma_wait3A_571, %dma_wait3A_572, %dma_wait3A_573] : memref<10x4x8x129xf32, #tpu.memory_space<vmem>> -> memref<10x4x8x128xf32, #tpu.memory_space<vmem>>
        %dma_wait3A_575 = arith.constant 0 : i32
        %dma_wait3A_576 = arith.constant 0 : i32
        %dma_wait3A_577 = arith.constant 0 : i32
        %dma_wait3A_578 = tpu.memref_slice %arg4[%mul3A_404, %dma_wait3A_575, %add3A_400, %dma_wait3A_576, %dma_wait3A_577] : memref<50x4x128x8x128xf32, #tpu.memory_space<hbm>> -> memref<10x4x1x8x128xf32, #tpu.memory_space<hbm>>
        %dma_wait3A_579 = tpu.memref_squeeze %dma_wait3A_578 : memref<10x4x1x8x128xf32, #tpu.memory_space<hbm>> -> memref<10x4x8x128xf32, #tpu.memory_space<hbm>>
        %dma_wait3A_580 = arith.constant 0 : i32
        %dma_wait3A_581 = arith.constant 0 : i32
        %dma_wait3A_582 = arith.constant 0 : i32
        %dma_wait3A_583 = tpu.memref_slice %arg4[%mul3A_404, %dma_wait3A_580, %add3A_400, %dma_wait3A_581, %dma_wait3A_582] : memref<50x4x128x8x128xf32, #tpu.memory_space<hbm>> -> memref<10x4x1x8x128xf32, #tpu.memory_space<hbm>>
        %dma_wait3A_584 = tpu.memref_squeeze %dma_wait3A_583 : memref<10x4x1x8x128xf32, #tpu.memory_space<hbm>> -> memref<10x4x8x128xf32, #tpu.memory_space<hbm>>
        %dma_wait3A_585 = arith.constant 0 : i32
        %dma_wait3A_586 = arith.constant 0 : i32
        %dma_wait3A_587 = arith.constant 0 : i32
        %dma_wait3A_588 = arith.constant 0 : i32
        %dma_wait3A_589 = tpu.memref_slice %arg9[%dma_wait3A_585, %dma_wait3A_586, %dma_wait3A_587, %dma_wait3A_588] : memref<10x4x8x129xf32, #tpu.memory_space<vmem>> -> memref<10x4x8x128xf32, #tpu.memory_space<vmem>>
        tpu.wait_dma2 semaphore(%run_scoped3A : memref<!tpu.dma_semaphore, #tpu.memory_space<semaphore_mem>>) src(%dma_wait3A_589 : memref<10x4x8x128xf32, #tpu.memory_space<vmem>>) dst(%dma_wait3A_584 : memref<10x4x8x128xf32, #tpu.memory_space<hbm>>)
        tpu.yield
      }) : () -> ()
      %lt3A = arith.constant 9 : i32
      %lt3A_411 = arith.cmpi slt, %scan3A_141, %lt3A : i32
      %convert_element_type3A = arith.extui %lt3A_411 : i1 to i32
      %cond3A = arith.constant 0 : i32
      %cond3A_412 = arith.cmpi ne, %convert_element_type3A, %cond3A : i32
      scf.if %cond3A_412 {
        %add3A_550 = arith.constant 2 : i32
        %add3A_551 = arith.addi %mul3A_143, %add3A_550 : i32
        %mul3A_552 = arith.constant 4 : i32
        %mul3A_553 = arith.muli %add3A, %mul3A_552 : i32
        %div3A_554 = arith.constant 5 : i32
        %div3A_555 = arith.divsi %add3A_551, %div3A_554 : i32
        %add3A_556 = arith.addi %mul3A_553, %div3A_555 : i32
        %rem3A_557 = arith.constant 5 : i32
        %rem3A_558 = arith.remsi %add3A_551, %rem3A_557 : i32
        %mul3A_559 = arith.constant 10 : i32
        %mul3A_560 = arith.muli %rem3A_558, %mul3A_559 : i32
        %mul3A_561 = arith.constant 128 : i32
        %mul3A_562 = arith.muli %add3A_556, %mul3A_561 : i32
        "tpu.region"() ({
          %run_scoped3A = tpu.sem_alloc : memref<!tpu.dma_semaphore, #tpu.memory_space<semaphore_mem>>
          %dma_start3A_683 = tpu.memref_slice %arg2[%mul3A_560, %mul3A_562] : memref<50x16384xi32, #tpu.memory_space<hbm>> -> memref<10x128xi32, #tpu.memory_space<hbm>>
          %dma_start3A_684 = tpu.memref_slice %arg2[%mul3A_560, %mul3A_562] : memref<50x16384xi32, #tpu.memory_space<hbm>> -> memref<10x128xi32, #tpu.memory_space<hbm>>
          tpu.enqueue_dma source(%dma_start3A_684 : memref<10x128xi32, #tpu.memory_space<hbm>>) target(%arg5 : memref<10x128xi32, #tpu.memory_space<vmem>>) target_semaphore(%run_scoped3A : memref<!tpu.dma_semaphore, #tpu.memory_space<semaphore_mem>>)
          %dma_wait3A_685 = tpu.memref_slice %arg2[%mul3A_560, %mul3A_562] : memref<50x16384xi32, #tpu.memory_space<hbm>> -> memref<10x128xi32, #tpu.memory_space<hbm>>
          %dma_wait3A_686 = tpu.memref_slice %arg2[%mul3A_560, %mul3A_562] : memref<50x16384xi32, #tpu.memory_space<hbm>> -> memref<10x128xi32, #tpu.memory_space<hbm>>
          tpu.wait_dma2 semaphore(%run_scoped3A : memref<!tpu.dma_semaphore, #tpu.memory_space<semaphore_mem>>) src(%dma_wait3A_686 : memref<10x128xi32, #tpu.memory_space<hbm>>) dst(%arg5 : memref<10x128xi32, #tpu.memory_space<vmem>>)
          tpu.yield
        }) : () -> ()
        %dma_start3A_563 = arith.constant 0 : i32
        %dma_start3A_564 = arith.constant 0 : i32
        %dma_start3A_565 = arith.constant 0 : i32
        %dma_start3A_566 = arith.constant 0 : i32
        %dma_start3A_567 = tpu.memref_slice %arg7[%dma_start3A_564, %dma_start3A_565, %dma_start3A_566] : memref<10x128x32xf32, #tpu.memory_space<vmem>> -> memref<1x128x32xf32, #tpu.memory_space<vmem>>
        %dma_start3A_568 = tpu.memref_squeeze %dma_start3A_567 : memref<1x128x32xf32, #tpu.memory_space<vmem>> -> memref<128x32xf32, #tpu.memory_space<vmem>>
        %dma_start3A_569 = arith.constant 0 : i32
        %dma_start3A_570 = tpu.memref_slice %arg5[%dma_start3A_563, %dma_start3A_569] : memref<10x128xi32, #tpu.memory_space<vmem>> -> memref<1x128xi32, #tpu.memory_space<vmem>>
        %dma_start3A_571 = tpu.memref_squeeze %dma_start3A_570 : memref<1x128xi32, #tpu.memory_space<vmem>> -> memref<128xi32, #tpu.memory_space<vmem>>
        %dma_start3A_572 = arith.constant 0 : i32
        %dma_start3A_573 = arith.constant 0 : i32
        %dma_start3A_574 = tpu.memref_slice %arg3[%dma_start3A_572, %dma_start3A_573] : memref<1000000x32xf32, #tpu.memory_space<hbm>> -> memref<1000000x32xf32, #tpu.memory_space<hbm>>
        tpu.enqueue_indirect_dma source(%dma_start3A_574 : memref<1000000x32xf32, #tpu.memory_space<hbm>>) target(%dma_start3A_568 : memref<128x32xf32, #tpu.memory_space<vmem>>) offsets(%dma_start3A_571 : memref<128xi32, #tpu.memory_space<vmem>>) semaphore(%arg10 : memref<!tpu.dma_semaphore, #tpu.memory_space<semaphore_mem>>)
        %dma_start3A_575 = arith.constant 1 : i32
        %dma_start3A_576 = arith.constant 1 : i32
        %dma_start3A_577 = arith.constant 0 : i32
        %dma_start3A_578 = arith.constant 0 : i32
        %dma_start3A_579 = tpu.memref_slice %arg7[%dma_start3A_576, %dma_start3A_577, %dma_start3A_578] : memref<10x128x32xf32, #tpu.memory_space<vmem>> -> memref<1x128x32xf32, #tpu.memory_space<vmem>>
        %dma_start3A_580 = tpu.memref_squeeze %dma_start3A_579 : memref<1x128x32xf32, #tpu.memory_space<vmem>> -> memref<128x32xf32, #tpu.memory_space<vmem>>
        %dma_start3A_581 = arith.constant 0 : i32
        %dma_start3A_582 = tpu.memref_slice %arg5[%dma_start3A_575, %dma_start3A_581] : memref<10x128xi32, #tpu.memory_space<vmem>> -> memref<1x128xi32, #tpu.memory_space<vmem>>
        %dma_start3A_583 = tpu.memref_squeeze %dma_start3A_582 : memref<1x128xi32, #tpu.memory_space<vmem>> -> memref<128xi32, #tpu.memory_space<vmem>>
        %dma_start3A_584 = arith.constant 0 : i32
        %dma_start3A_585 = arith.constant 0 : i32
        %dma_start3A_586 = tpu.memref_slice %arg3[%dma_start3A_584, %dma_start3A_585] : memref<1000000x32xf32, #tpu.memory_space<hbm>> -> memref<1000000x32xf32, #tpu.memory_space<hbm>>
        tpu.enqueue_indirect_dma source(%dma_start3A_586 : memref<1000000x32xf32, #tpu.memory_space<hbm>>) target(%dma_start3A_580 : memref<128x32xf32, #tpu.memory_space<vmem>>) offsets(%dma_start3A_583 : memref<128xi32, #tpu.memory_space<vmem>>) semaphore(%arg10 : memref<!tpu.dma_semaphore, #tpu.memory_space<semaphore_mem>>)
        %dma_start3A_587 = arith.constant 2 : i32
        %dma_start3A_588 = arith.constant 2 : i32
        %dma_start3A_589 = arith.constant 0 : i32
        %dma_start3A_590 = arith.constant 0 : i32
        %dma_start3A_591 = tpu.memref_slice %arg7[%dma_start3A_588, %dma_start3A_589, %dma_start3A_590] : memref<10x128x32xf32, #tpu.memory_space<vmem>> -> memref<1x128x32xf32, #tpu.memory_space<vmem>>
        %dma_start3A_592 = tpu.memref_squeeze %dma_start3A_591 : memref<1x128x32xf32, #tpu.memory_space<vmem>> -> memref<128x32xf32, #tpu.memory_space<vmem>>
        %dma_start3A_593 = arith.constant 0 : i32
        %dma_start3A_594 = tpu.memref_slice %arg5[%dma_start3A_587, %dma_start3A_593] : memref<10x128xi32, #tpu.memory_space<vmem>> -> memref<1x128xi32, #tpu.memory_space<vmem>>
        %dma_start3A_595 = tpu.memref_squeeze %dma_start3A_594 : memref<1x128xi32, #tpu.memory_space<vmem>> -> memref<128xi32, #tpu.memory_space<vmem>>
        %dma_start3A_596 = arith.constant 0 : i32
        %dma_start3A_597 = arith.constant 0 : i32
        %dma_start3A_598 = tpu.memref_slice %arg3[%dma_start3A_596, %dma_start3A_597] : memref<1000000x32xf32, #tpu.memory_space<hbm>> -> memref<1000000x32xf32, #tpu.memory_space<hbm>>
        tpu.enqueue_indirect_dma source(%dma_start3A_598 : memref<1000000x32xf32, #tpu.memory_space<hbm>>) target(%dma_start3A_592 : memref<128x32xf32, #tpu.memory_space<vmem>>) offsets(%dma_start3A_595 : memref<128xi32, #tpu.memory_space<vmem>>) semaphore(%arg10 : memref<!tpu.dma_semaphore, #tpu.memory_space<semaphore_mem>>)
        %dma_start3A_599 = arith.constant 3 : i32
        %dma_start3A_600 = arith.constant 3 : i32
        %dma_start3A_601 = arith.constant 0 : i32
        %dma_start3A_602 = arith.constant 0 : i32
        %dma_start3A_603 = tpu.memref_slice %arg7[%dma_start3A_600, %dma_start3A_601, %dma_start3A_602] : memref<10x128x32xf32, #tpu.memory_space<vmem>> -> memref<1x128x32xf32, #tpu.memory_space<vmem>>
        %dma_start3A_604 = tpu.memref_squeeze %dma_start3A_603 : memref<1x128x32xf32, #tpu.memory_space<vmem>> -> memref<128x32xf32, #tpu.memory_space<vmem>>
        %dma_start3A_605 = arith.constant 0 : i32
        %dma_start3A_606 = tpu.memref_slice %arg5[%dma_start3A_599, %dma_start3A_605] : memref<10x128xi32, #tpu.memory_space<vmem>> -> memref<1x128xi32, #tpu.memory_space<vmem>>
        %dma_start3A_607 = tpu.memref_squeeze %dma_start3A_606 : memref<1x128xi32, #tpu.memory_space<vmem>> -> memref<128xi32, #tpu.memory_space<vmem>>
        %dma_start3A_608 = arith.constant 0 : i32
        %dma_start3A_609 = arith.constant 0 : i32
        %dma_start3A_610 = tpu.memref_slice %arg3[%dma_start3A_608, %dma_start3A_609] : memref<1000000x32xf32, #tpu.memory_space<hbm>> -> memref<1000000x32xf32, #tpu.memory_space<hbm>>
        tpu.enqueue_indirect_dma source(%dma_start3A_610 : memref<1000000x32xf32, #tpu.memory_space<hbm>>) target(%dma_start3A_604 : memref<128x32xf32, #tpu.memory_space<vmem>>) offsets(%dma_start3A_607 : memref<128xi32, #tpu.memory_space<vmem>>) semaphore(%arg10 : memref<!tpu.dma_semaphore, #tpu.memory_space<semaphore_mem>>)
        %dma_start3A_611 = arith.constant 4 : i32
        %dma_start3A_612 = arith.constant 4 : i32
        %dma_start3A_613 = arith.constant 0 : i32
        %dma_start3A_614 = arith.constant 0 : i32
        %dma_start3A_615 = tpu.memref_slice %arg7[%dma_start3A_612, %dma_start3A_613, %dma_start3A_614] : memref<10x128x32xf32, #tpu.memory_space<vmem>> -> memref<1x128x32xf32, #tpu.memory_space<vmem>>
        %dma_start3A_616 = tpu.memref_squeeze %dma_start3A_615 : memref<1x128x32xf32, #tpu.memory_space<vmem>> -> memref<128x32xf32, #tpu.memory_space<vmem>>
        %dma_start3A_617 = arith.constant 0 : i32
        %dma_start3A_618 = tpu.memref_slice %arg5[%dma_start3A_611, %dma_start3A_617] : memref<10x128xi32, #tpu.memory_space<vmem>> -> memref<1x128xi32, #tpu.memory_space<vmem>>
        %dma_start3A_619 = tpu.memref_squeeze %dma_start3A_618 : memref<1x128xi32, #tpu.memory_space<vmem>> -> memref<128xi32, #tpu.memory_space<vmem>>
        %dma_start3A_620 = arith.constant 0 : i32
        %dma_start3A_621 = arith.constant 0 : i32
        %dma_start3A_622 = tpu.memref_slice %arg3[%dma_start3A_620, %dma_start3A_621] : memref<1000000x32xf32, #tpu.memory_space<hbm>> -> memref<1000000x32xf32, #tpu.memory_space<hbm>>
        tpu.enqueue_indirect_dma source(%dma_start3A_622 : memref<1000000x32xf32, #tpu.memory_space<hbm>>) target(%dma_start3A_616 : memref<128x32xf32, #tpu.memory_space<vmem>>) offsets(%dma_start3A_619 : memref<128xi32, #tpu.memory_space<vmem>>) semaphore(%arg10 : memref<!tpu.dma_semaphore, #tpu.memory_space<semaphore_mem>>)
        %dma_start3A_623 = arith.constant 5 : i32
        %dma_start3A_624 = arith.constant 5 : i32
        %dma_start3A_625 = arith.constant 0 : i32
        %dma_start3A_626 = arith.constant 0 : i32
        %dma_start3A_627 = tpu.memref_slice %arg7[%dma_start3A_624, %dma_start3A_625, %dma_start3A_626] : memref<10x128x32xf32, #tpu.memory_space<vmem>> -> memref<1x128x32xf32, #tpu.memory_space<vmem>>
        %dma_start3A_628 = tpu.memref_squeeze %dma_start3A_627 : memref<1x128x32xf32, #tpu.memory_space<vmem>> -> memref<128x32xf32, #tpu.memory_space<vmem>>
        %dma_start3A_629 = arith.constant 0 : i32
        %dma_start3A_630 = tpu.memref_slice %arg5[%dma_start3A_623, %dma_start3A_629] : memref<10x128xi32, #tpu.memory_space<vmem>> -> memref<1x128xi32, #tpu.memory_space<vmem>>
        %dma_start3A_631 = tpu.memref_squeeze %dma_start3A_630 : memref<1x128xi32, #tpu.memory_space<vmem>> -> memref<128xi32, #tpu.memory_space<vmem>>
        %dma_start3A_632 = arith.constant 0 : i32
        %dma_start3A_633 = arith.constant 0 : i32
        %dma_start3A_634 = tpu.memref_slice %arg3[%dma_start3A_632, %dma_start3A_633] : memref<1000000x32xf32, #tpu.memory_space<hbm>> -> memref<1000000x32xf32, #tpu.memory_space<hbm>>
        tpu.enqueue_indirect_dma source(%dma_start3A_634 : memref<1000000x32xf32, #tpu.memory_space<hbm>>) target(%dma_start3A_628 : memref<128x32xf32, #tpu.memory_space<vmem>>) offsets(%dma_start3A_631 : memref<128xi32, #tpu.memory_space<vmem>>) semaphore(%arg10 : memref<!tpu.dma_semaphore, #tpu.memory_space<semaphore_mem>>)
        %dma_start3A_635 = arith.constant 6 : i32
        %dma_start3A_636 = arith.constant 6 : i32
        %dma_start3A_637 = arith.constant 0 : i32
        %dma_start3A_638 = arith.constant 0 : i32
        %dma_start3A_639 = tpu.memref_slice %arg7[%dma_start3A_636, %dma_start3A_637, %dma_start3A_638] : memref<10x128x32xf32, #tpu.memory_space<vmem>> -> memref<1x128x32xf32, #tpu.memory_space<vmem>>
        %dma_start3A_640 = tpu.memref_squeeze %dma_start3A_639 : memref<1x128x32xf32, #tpu.memory_space<vmem>> -> memref<128x32xf32, #tpu.memory_space<vmem>>
        %dma_start3A_641 = arith.constant 0 : i32
        %dma_start3A_642 = tpu.memref_slice %arg5[%dma_start3A_635, %dma_start3A_641] : memref<10x128xi32, #tpu.memory_space<vmem>> -> memref<1x128xi32, #tpu.memory_space<vmem>>
        %dma_start3A_643 = tpu.memref_squeeze %dma_start3A_642 : memref<1x128xi32, #tpu.memory_space<vmem>> -> memref<128xi32, #tpu.memory_space<vmem>>
        %dma_start3A_644 = arith.constant 0 : i32
        %dma_start3A_645 = arith.constant 0 : i32
        %dma_start3A_646 = tpu.memref_slice %arg3[%dma_start3A_644, %dma_start3A_645] : memref<1000000x32xf32, #tpu.memory_space<hbm>> -> memref<1000000x32xf32, #tpu.memory_space<hbm>>
        tpu.enqueue_indirect_dma source(%dma_start3A_646 : memref<1000000x32xf32, #tpu.memory_space<hbm>>) target(%dma_start3A_640 : memref<128x32xf32, #tpu.memory_space<vmem>>) offsets(%dma_start3A_643 : memref<128xi32, #tpu.memory_space<vmem>>) semaphore(%arg10 : memref<!tpu.dma_semaphore, #tpu.memory_space<semaphore_mem>>)
        %dma_start3A_647 = arith.constant 7 : i32
        %dma_start3A_648 = arith.constant 7 : i32
        %dma_start3A_649 = arith.constant 0 : i32
        %dma_start3A_650 = arith.constant 0 : i32
        %dma_start3A_651 = tpu.memref_slice %arg7[%dma_start3A_648, %dma_start3A_649, %dma_start3A_650] : memref<10x128x32xf32, #tpu.memory_space<vmem>> -> memref<1x128x32xf32, #tpu.memory_space<vmem>>
        %dma_start3A_652 = tpu.memref_squeeze %dma_start3A_651 : memref<1x128x32xf32, #tpu.memory_space<vmem>> -> memref<128x32xf32, #tpu.memory_space<vmem>>
        %dma_start3A_653 = arith.constant 0 : i32
        %dma_start3A_654 = tpu.memref_slice %arg5[%dma_start3A_647, %dma_start3A_653] : memref<10x128xi32, #tpu.memory_space<vmem>> -> memref<1x128xi32, #tpu.memory_space<vmem>>
        %dma_start3A_655 = tpu.memref_squeeze %dma_start3A_654 : memref<1x128xi32, #tpu.memory_space<vmem>> -> memref<128xi32, #tpu.memory_space<vmem>>
        %dma_start3A_656 = arith.constant 0 : i32
        %dma_start3A_657 = arith.constant 0 : i32
        %dma_start3A_658 = tpu.memref_slice %arg3[%dma_start3A_656, %dma_start3A_657] : memref<1000000x32xf32, #tpu.memory_space<hbm>> -> memref<1000000x32xf32, #tpu.memory_space<hbm>>
        tpu.enqueue_indirect_dma source(%dma_start3A_658 : memref<1000000x32xf32, #tpu.memory_space<hbm>>) target(%dma_start3A_652 : memref<128x32xf32, #tpu.memory_space<vmem>>) offsets(%dma_start3A_655 : memref<128xi32, #tpu.memory_space<vmem>>) semaphore(%arg10 : memref<!tpu.dma_semaphore, #tpu.memory_space<semaphore_mem>>)
        %dma_start3A_659 = arith.constant 8 : i32
        %dma_start3A_660 = arith.constant 8 : i32
        %dma_start3A_661 = arith.constant 0 : i32
        %dma_start3A_662 = arith.constant 0 : i32
        %dma_start3A_663 = tpu.memref_slice %arg7[%dma_start3A_660, %dma_start3A_661, %dma_start3A_662] : memref<10x128x32xf32, #tpu.memory_space<vmem>> -> memref<1x128x32xf32, #tpu.memory_space<vmem>>
        %dma_start3A_664 = tpu.memref_squeeze %dma_start3A_663 : memref<1x128x32xf32, #tpu.memory_space<vmem>> -> memref<128x32xf32, #tpu.memory_space<vmem>>
        %dma_start3A_665 = arith.constant 0 : i32
        %dma_start3A_666 = tpu.memref_slice %arg5[%dma_start3A_659, %dma_start3A_665] : memref<10x128xi32, #tpu.memory_space<vmem>> -> memref<1x128xi32, #tpu.memory_space<vmem>>
        %dma_start3A_667 = tpu.memref_squeeze %dma_start3A_666 : memref<1x128xi32, #tpu.memory_space<vmem>> -> memref<128xi32, #tpu.memory_space<vmem>>
        %dma_start3A_668 = arith.constant 0 : i32
        %dma_start3A_669 = arith.constant 0 : i32
        %dma_start3A_670 = tpu.memref_slice %arg3[%dma_start3A_668, %dma_start3A_669] : memref<1000000x32xf32, #tpu.memory_space<hbm>> -> memref<1000000x32xf32, #tpu.memory_space<hbm>>
        tpu.enqueue_indirect_dma source(%dma_start3A_670 : memref<1000000x32xf32, #tpu.memory_space<hbm>>) target(%dma_start3A_664 : memref<128x32xf32, #tpu.memory_space<vmem>>) offsets(%dma_start3A_667 : memref<128xi32, #tpu.memory_space<vmem>>) semaphore(%arg10 : memref<!tpu.dma_semaphore, #tpu.memory_space<semaphore_mem>>)
        %dma_start3A_671 = arith.constant 9 : i32
        %dma_start3A_672 = arith.constant 9 : i32
        %dma_start3A_673 = arith.constant 0 : i32
        %dma_start3A_674 = arith.constant 0 : i32
        %dma_start3A_675 = tpu.memref_slice %arg7[%dma_start3A_672, %dma_start3A_673, %dma_start3A_674] : memref<10x128x32xf32, #tpu.memory_space<vmem>> -> memref<1x128x32xf32, #tpu.memory_space<vmem>>
        %dma_start3A_676 = tpu.memref_squeeze %dma_start3A_675 : memref<1x128x32xf32, #tpu.memory_space<vmem>> -> memref<128x32xf32, #tpu.memory_space<vmem>>
        %dma_start3A_677 = arith.constant 0 : i32
        %dma_start3A_678 = tpu.memref_slice %arg5[%dma_start3A_671, %dma_start3A_677] : memref<10x128xi32, #tpu.memory_space<vmem>> -> memref<1x128xi32, #tpu.memory_space<vmem>>
        %dma_start3A_679 = tpu.memref_squeeze %dma_start3A_678 : memref<1x128xi32, #tpu.memory_space<vmem>> -> memref<128xi32, #tpu.memory_space<vmem>>
        %dma_start3A_680 = arith.constant 0 : i32
        %dma_start3A_681 = arith.constant 0 : i32
        %dma_start3A_682 = tpu.memref_slice %arg3[%dma_start3A_680, %dma_start3A_681] : memref<1000000x32xf32, #tpu.memory_space<hbm>> -> memref<1000000x32xf32, #tpu.memory_space<hbm>>
        tpu.enqueue_indirect_dma source(%dma_start3A_682 : memref<1000000x32xf32, #tpu.memory_space<hbm>>) target(%dma_start3A_676 : memref<128x32xf32, #tpu.memory_space<vmem>>) offsets(%dma_start3A_679 : memref<128xi32, #tpu.memory_space<vmem>>) semaphore(%arg10 : memref<!tpu.dma_semaphore, #tpu.memory_space<semaphore_mem>>)
      } else {
      }
      %dma_wait3A_413 = arith.constant 0 : i32
      %dma_wait3A_414 = arith.constant 0 : i32
      %dma_wait3A_415 = arith.constant 0 : i32
      %dma_wait3A_416 = arith.constant 0 : i32
      %dma_wait3A_417 = tpu.memref_slice %arg8[%dma_wait3A_414, %dma_wait3A_415, %dma_wait3A_416] : memref<10x128x32xf32, #tpu.memory_space<vmem>> -> memref<1x128x32xf32, #tpu.memory_space<vmem>>
      %dma_wait3A_418 = tpu.memref_squeeze %dma_wait3A_417 : memref<1x128x32xf32, #tpu.memory_space<vmem>> -> memref<128x32xf32, #tpu.memory_space<vmem>>
      %dma_wait3A_419 = arith.constant 0 : i32
      %dma_wait3A_420 = tpu.memref_slice %arg6[%dma_wait3A_413, %dma_wait3A_419] : memref<10x128xi32, #tpu.memory_space<vmem>> -> memref<1x128xi32, #tpu.memory_space<vmem>>
      %dma_wait3A_421 = tpu.memref_squeeze %dma_wait3A_420 : memref<1x128xi32, #tpu.memory_space<vmem>> -> memref<128xi32, #tpu.memory_space<vmem>>
      %dma_wait3A_422 = arith.constant 0 : i32
      %dma_wait3A_423 = arith.constant 0 : i32
      %dma_wait3A_424 = tpu.memref_slice %arg3[%dma_wait3A_422, %dma_wait3A_423] : memref<1000000x32xf32, #tpu.memory_space<hbm>> -> memref<1000000x32xf32, #tpu.memory_space<hbm>>
      tpu.wait_indirect_dma semaphore(%arg11 : memref<!tpu.dma_semaphore, #tpu.memory_space<semaphore_mem>>) src(%dma_wait3A_424 : memref<1000000x32xf32, #tpu.memory_space<hbm>>) dst(%dma_wait3A_418 : memref<128x32xf32, #tpu.memory_space<vmem>>)
      %dma_wait3A_425 = arith.constant 1 : i32
      %dma_wait3A_426 = arith.constant 1 : i32
      %dma_wait3A_427 = arith.constant 0 : i32
      %dma_wait3A_428 = arith.constant 0 : i32
      %dma_wait3A_429 = tpu.memref_slice %arg8[%dma_wait3A_426, %dma_wait3A_427, %dma_wait3A_428] : memref<10x128x32xf32, #tpu.memory_space<vmem>> -> memref<1x128x32xf32, #tpu.memory_space<vmem>>
      %dma_wait3A_430 = tpu.memref_squeeze %dma_wait3A_429 : memref<1x128x32xf32, #tpu.memory_space<vmem>> -> memref<128x32xf32, #tpu.memory_space<vmem>>
      %dma_wait3A_431 = arith.constant 0 : i32
      %dma_wait3A_432 = tpu.memref_slice %arg6[%dma_wait3A_425, %dma_wait3A_431] : memref<10x128xi32, #tpu.memory_space<vmem>> -> memref<1x128xi32, #tpu.memory_space<vmem>>
      %dma_wait3A_433 = tpu.memref_squeeze %dma_wait3A_432 : memref<1x128xi32, #tpu.memory_space<vmem>> -> memref<128xi32, #tpu.memory_space<vmem>>
      %dma_wait3A_434 = arith.constant 0 : i32
      %dma_wait3A_435 = arith.constant 0 : i32
      %dma_wait3A_436 = tpu.memref_slice %arg3[%dma_wait3A_434, %dma_wait3A_435] : memref<1000000x32xf32, #tpu.memory_space<hbm>> -> memref<1000000x32xf32, #tpu.memory_space<hbm>>
      tpu.wait_indirect_dma semaphore(%arg11 : memref<!tpu.dma_semaphore, #tpu.memory_space<semaphore_mem>>) src(%dma_wait3A_436 : memref<1000000x32xf32, #tpu.memory_space<hbm>>) dst(%dma_wait3A_430 : memref<128x32xf32, #tpu.memory_space<vmem>>)
      %dma_wait3A_437 = arith.constant 2 : i32
      %dma_wait3A_438 = arith.constant 2 : i32
      %dma_wait3A_439 = arith.constant 0 : i32
      %dma_wait3A_440 = arith.constant 0 : i32
      %dma_wait3A_441 = tpu.memref_slice %arg8[%dma_wait3A_438, %dma_wait3A_439, %dma_wait3A_440] : memref<10x128x32xf32, #tpu.memory_space<vmem>> -> memref<1x128x32xf32, #tpu.memory_space<vmem>>
      %dma_wait3A_442 = tpu.memref_squeeze %dma_wait3A_441 : memref<1x128x32xf32, #tpu.memory_space<vmem>> -> memref<128x32xf32, #tpu.memory_space<vmem>>
      %dma_wait3A_443 = arith.constant 0 : i32
      %dma_wait3A_444 = tpu.memref_slice %arg6[%dma_wait3A_437, %dma_wait3A_443] : memref<10x128xi32, #tpu.memory_space<vmem>> -> memref<1x128xi32, #tpu.memory_space<vmem>>
      %dma_wait3A_445 = tpu.memref_squeeze %dma_wait3A_444 : memref<1x128xi32, #tpu.memory_space<vmem>> -> memref<128xi32, #tpu.memory_space<vmem>>
      %dma_wait3A_446 = arith.constant 0 : i32
      %dma_wait3A_447 = arith.constant 0 : i32
      %dma_wait3A_448 = tpu.memref_slice %arg3[%dma_wait3A_446, %dma_wait3A_447] : memref<1000000x32xf32, #tpu.memory_space<hbm>> -> memref<1000000x32xf32, #tpu.memory_space<hbm>>
      tpu.wait_indirect_dma semaphore(%arg11 : memref<!tpu.dma_semaphore, #tpu.memory_space<semaphore_mem>>) src(%dma_wait3A_448 : memref<1000000x32xf32, #tpu.memory_space<hbm>>) dst(%dma_wait3A_442 : memref<128x32xf32, #tpu.memory_space<vmem>>)
      %dma_wait3A_449 = arith.constant 3 : i32
      %dma_wait3A_450 = arith.constant 3 : i32
      %dma_wait3A_451 = arith.constant 0 : i32
      %dma_wait3A_452 = arith.constant 0 : i32
      %dma_wait3A_453 = tpu.memref_slice %arg8[%dma_wait3A_450, %dma_wait3A_451, %dma_wait3A_452] : memref<10x128x32xf32, #tpu.memory_space<vmem>> -> memref<1x128x32xf32, #tpu.memory_space<vmem>>
      %dma_wait3A_454 = tpu.memref_squeeze %dma_wait3A_453 : memref<1x128x32xf32, #tpu.memory_space<vmem>> -> memref<128x32xf32, #tpu.memory_space<vmem>>
      %dma_wait3A_455 = arith.constant 0 : i32
      %dma_wait3A_456 = tpu.memref_slice %arg6[%dma_wait3A_449, %dma_wait3A_455] : memref<10x128xi32, #tpu.memory_space<vmem>> -> memref<1x128xi32, #tpu.memory_space<vmem>>
      %dma_wait3A_457 = tpu.memref_squeeze %dma_wait3A_456 : memref<1x128xi32, #tpu.memory_space<vmem>> -> memref<128xi32, #tpu.memory_space<vmem>>
      %dma_wait3A_458 = arith.constant 0 : i32
      %dma_wait3A_459 = arith.constant 0 : i32
      %dma_wait3A_460 = tpu.memref_slice %arg3[%dma_wait3A_458, %dma_wait3A_459] : memref<1000000x32xf32, #tpu.memory_space<hbm>> -> memref<1000000x32xf32, #tpu.memory_space<hbm>>
      tpu.wait_indirect_dma semaphore(%arg11 : memref<!tpu.dma_semaphore, #tpu.memory_space<semaphore_mem>>) src(%dma_wait3A_460 : memref<1000000x32xf32, #tpu.memory_space<hbm>>) dst(%dma_wait3A_454 : memref<128x32xf32, #tpu.memory_space<vmem>>)
      %dma_wait3A_461 = arith.constant 4 : i32
      %dma_wait3A_462 = arith.constant 4 : i32
      %dma_wait3A_463 = arith.constant 0 : i32
      %dma_wait3A_464 = arith.constant 0 : i32
      %dma_wait3A_465 = tpu.memref_slice %arg8[%dma_wait3A_462, %dma_wait3A_463, %dma_wait3A_464] : memref<10x128x32xf32, #tpu.memory_space<vmem>> -> memref<1x128x32xf32, #tpu.memory_space<vmem>>
      %dma_wait3A_466 = tpu.memref_squeeze %dma_wait3A_465 : memref<1x128x32xf32, #tpu.memory_space<vmem>> -> memref<128x32xf32, #tpu.memory_space<vmem>>
      %dma_wait3A_467 = arith.constant 0 : i32
      %dma_wait3A_468 = tpu.memref_slice %arg6[%dma_wait3A_461, %dma_wait3A_467] : memref<10x128xi32, #tpu.memory_space<vmem>> -> memref<1x128xi32, #tpu.memory_space<vmem>>
      %dma_wait3A_469 = tpu.memref_squeeze %dma_wait3A_468 : memref<1x128xi32, #tpu.memory_space<vmem>> -> memref<128xi32, #tpu.memory_space<vmem>>
      %dma_wait3A_470 = arith.constant 0 : i32
      %dma_wait3A_471 = arith.constant 0 : i32
      %dma_wait3A_472 = tpu.memref_slice %arg3[%dma_wait3A_470, %dma_wait3A_471] : memref<1000000x32xf32, #tpu.memory_space<hbm>> -> memref<1000000x32xf32, #tpu.memory_space<hbm>>
      tpu.wait_indirect_dma semaphore(%arg11 : memref<!tpu.dma_semaphore, #tpu.memory_space<semaphore_mem>>) src(%dma_wait3A_472 : memref<1000000x32xf32, #tpu.memory_space<hbm>>) dst(%dma_wait3A_466 : memref<128x32xf32, #tpu.memory_space<vmem>>)
      %dma_wait3A_473 = arith.constant 5 : i32
      %dma_wait3A_474 = arith.constant 5 : i32
      %dma_wait3A_475 = arith.constant 0 : i32
      %dma_wait3A_476 = arith.constant 0 : i32
      %dma_wait3A_477 = tpu.memref_slice %arg8[%dma_wait3A_474, %dma_wait3A_475, %dma_wait3A_476] : memref<10x128x32xf32, #tpu.memory_space<vmem>> -> memref<1x128x32xf32, #tpu.memory_space<vmem>>
      %dma_wait3A_478 = tpu.memref_squeeze %dma_wait3A_477 : memref<1x128x32xf32, #tpu.memory_space<vmem>> -> memref<128x32xf32, #tpu.memory_space<vmem>>
      %dma_wait3A_479 = arith.constant 0 : i32
      %dma_wait3A_480 = tpu.memref_slice %arg6[%dma_wait3A_473, %dma_wait3A_479] : memref<10x128xi32, #tpu.memory_space<vmem>> -> memref<1x128xi32, #tpu.memory_space<vmem>>
      %dma_wait3A_481 = tpu.memref_squeeze %dma_wait3A_480 : memref<1x128xi32, #tpu.memory_space<vmem>> -> memref<128xi32, #tpu.memory_space<vmem>>
      %dma_wait3A_482 = arith.constant 0 : i32
      %dma_wait3A_483 = arith.constant 0 : i32
      %dma_wait3A_484 = tpu.memref_slice %arg3[%dma_wait3A_482, %dma_wait3A_483] : memref<1000000x32xf32, #tpu.memory_space<hbm>> -> memref<1000000x32xf32, #tpu.memory_space<hbm>>
      tpu.wait_indirect_dma semaphore(%arg11 : memref<!tpu.dma_semaphore, #tpu.memory_space<semaphore_mem>>) src(%dma_wait3A_484 : memref<1000000x32xf32, #tpu.memory_space<hbm>>) dst(%dma_wait3A_478 : memref<128x32xf32, #tpu.memory_space<vmem>>)
      %dma_wait3A_485 = arith.constant 6 : i32
      %dma_wait3A_486 = arith.constant 6 : i32
      %dma_wait3A_487 = arith.constant 0 : i32
      %dma_wait3A_488 = arith.constant 0 : i32
      %dma_wait3A_489 = tpu.memref_slice %arg8[%dma_wait3A_486, %dma_wait3A_487, %dma_wait3A_488] : memref<10x128x32xf32, #tpu.memory_space<vmem>> -> memref<1x128x32xf32, #tpu.memory_space<vmem>>
      %dma_wait3A_490 = tpu.memref_squeeze %dma_wait3A_489 : memref<1x128x32xf32, #tpu.memory_space<vmem>> -> memref<128x32xf32, #tpu.memory_space<vmem>>
      %dma_wait3A_491 = arith.constant 0 : i32
      %dma_wait3A_492 = tpu.memref_slice %arg6[%dma_wait3A_485, %dma_wait3A_491] : memref<10x128xi32, #tpu.memory_space<vmem>> -> memref<1x128xi32, #tpu.memory_space<vmem>>
      %dma_wait3A_493 = tpu.memref_squeeze %dma_wait3A_492 : memref<1x128xi32, #tpu.memory_space<vmem>> -> memref<128xi32, #tpu.memory_space<vmem>>
      %dma_wait3A_494 = arith.constant 0 : i32
      %dma_wait3A_495 = arith.constant 0 : i32
      %dma_wait3A_496 = tpu.memref_slice %arg3[%dma_wait3A_494, %dma_wait3A_495] : memref<1000000x32xf32, #tpu.memory_space<hbm>> -> memref<1000000x32xf32, #tpu.memory_space<hbm>>
      tpu.wait_indirect_dma semaphore(%arg11 : memref<!tpu.dma_semaphore, #tpu.memory_space<semaphore_mem>>) src(%dma_wait3A_496 : memref<1000000x32xf32, #tpu.memory_space<hbm>>) dst(%dma_wait3A_490 : memref<128x32xf32, #tpu.memory_space<vmem>>)
      %dma_wait3A_497 = arith.constant 7 : i32
      %dma_wait3A_498 = arith.constant 7 : i32
      %dma_wait3A_499 = arith.constant 0 : i32
      %dma_wait3A_500 = arith.constant 0 : i32
      %dma_wait3A_501 = tpu.memref_slice %arg8[%dma_wait3A_498, %dma_wait3A_499, %dma_wait3A_500] : memref<10x128x32xf32, #tpu.memory_space<vmem>> -> memref<1x128x32xf32, #tpu.memory_space<vmem>>
      %dma_wait3A_502 = tpu.memref_squeeze %dma_wait3A_501 : memref<1x128x32xf32, #tpu.memory_space<vmem>> -> memref<128x32xf32, #tpu.memory_space<vmem>>
      %dma_wait3A_503 = arith.constant 0 : i32
      %dma_wait3A_504 = tpu.memref_slice %arg6[%dma_wait3A_497, %dma_wait3A_503] : memref<10x128xi32, #tpu.memory_space<vmem>> -> memref<1x128xi32, #tpu.memory_space<vmem>>
      %dma_wait3A_505 = tpu.memref_squeeze %dma_wait3A_504 : memref<1x128xi32, #tpu.memory_space<vmem>> -> memref<128xi32, #tpu.memory_space<vmem>>
      %dma_wait3A_506 = arith.constant 0 : i32
      %dma_wait3A_507 = arith.constant 0 : i32
      %dma_wait3A_508 = tpu.memref_slice %arg3[%dma_wait3A_506, %dma_wait3A_507] : memref<1000000x32xf32, #tpu.memory_space<hbm>> -> memref<1000000x32xf32, #tpu.memory_space<hbm>>
      tpu.wait_indirect_dma semaphore(%arg11 : memref<!tpu.dma_semaphore, #tpu.memory_space<semaphore_mem>>) src(%dma_wait3A_508 : memref<1000000x32xf32, #tpu.memory_space<hbm>>) dst(%dma_wait3A_502 : memref<128x32xf32, #tpu.memory_space<vmem>>)
      %dma_wait3A_509 = arith.constant 8 : i32
      %dma_wait3A_510 = arith.constant 8 : i32
      %dma_wait3A_511 = arith.constant 0 : i32
      %dma_wait3A_512 = arith.constant 0 : i32
      %dma_wait3A_513 = tpu.memref_slice %arg8[%dma_wait3A_510, %dma_wait3A_511, %dma_wait3A_512] : memref<10x128x32xf32, #tpu.memory_space<vmem>> -> memref<1x128x32xf32, #tpu.memory_space<vmem>>
      %dma_wait3A_514 = tpu.memref_squeeze %dma_wait3A_513 : memref<1x128x32xf32, #tpu.memory_space<vmem>> -> memref<128x32xf32, #tpu.memory_space<vmem>>
      %dma_wait3A_515 = arith.constant 0 : i32
      %dma_wait3A_516 = tpu.memref_slice %arg6[%dma_wait3A_509, %dma_wait3A_515] : memref<10x128xi32, #tpu.memory_space<vmem>> -> memref<1x128xi32, #tpu.memory_space<vmem>>
      %dma_wait3A_517 = tpu.memref_squeeze %dma_wait3A_516 : memref<1x128xi32, #tpu.memory_space<vmem>> -> memref<128xi32, #tpu.memory_space<vmem>>
      %dma_wait3A_518 = arith.constant 0 : i32
      %dma_wait3A_519 = arith.constant 0 : i32
      %dma_wait3A_520 = tpu.memref_slice %arg3[%dma_wait3A_518, %dma_wait3A_519] : memref<1000000x32xf32, #tpu.memory_space<hbm>> -> memref<1000000x32xf32, #tpu.memory_space<hbm>>
      tpu.wait_indirect_dma semaphore(%arg11 : memref<!tpu.dma_semaphore, #tpu.memory_space<semaphore_mem>>) src(%dma_wait3A_520 : memref<1000000x32xf32, #tpu.memory_space<hbm>>) dst(%dma_wait3A_514 : memref<128x32xf32, #tpu.memory_space<vmem>>)
      %dma_wait3A_521 = arith.constant 9 : i32
      %dma_wait3A_522 = arith.constant 9 : i32
      %dma_wait3A_523 = arith.constant 0 : i32
      %dma_wait3A_524 = arith.constant 0 : i32
      %dma_wait3A_525 = tpu.memref_slice %arg8[%dma_wait3A_522, %dma_wait3A_523, %dma_wait3A_524] : memref<10x128x32xf32, #tpu.memory_space<vmem>> -> memref<1x128x32xf32, #tpu.memory_space<vmem>>
      %dma_wait3A_526 = tpu.memref_squeeze %dma_wait3A_525 : memref<1x128x32xf32, #tpu.memory_space<vmem>> -> memref<128x32xf32, #tpu.memory_space<vmem>>
      %dma_wait3A_527 = arith.constant 0 : i32
      %dma_wait3A_528 = tpu.memref_slice %arg6[%dma_wait3A_521, %dma_wait3A_527] : memref<10x128xi32, #tpu.memory_space<vmem>> -> memref<1x128xi32, #tpu.memory_space<vmem>>
      %dma_wait3A_529 = tpu.memref_squeeze %dma_wait3A_528 : memref<1x128xi32, #tpu.memory_space<vmem>> -> memref<128xi32, #tpu.memory_space<vmem>>
      %dma_wait3A_530 = arith.constant 0 : i32
      %dma_wait3A_531 = arith.constant 0 : i32
      %dma_wait3A_532 = tpu.memref_slice %arg3[%dma_wait3A_530, %dma_wait3A_531] : memref<1000000x32xf32, #tpu.memory_space<hbm>> -> memref<1000000x32xf32, #tpu.memory_space<hbm>>
      tpu.wait_indirect_dma semaphore(%arg11 : memref<!tpu.dma_semaphore, #tpu.memory_space<semaphore_mem>>) src(%dma_wait3A_532 : memref<1000000x32xf32, #tpu.memory_space<hbm>>) dst(%dma_wait3A_526 : memref<128x32xf32, #tpu.memory_space<vmem>>)
      %add3A_533 = arith.constant 1 : i32
      %add3A_534 = arith.addi %mul3A_143, %add3A_533 : i32
      %mul3A_535 = arith.constant 4 : i32
      %mul3A_536 = arith.muli %add3A, %mul3A_535 : i32
      %div3A_537 = arith.constant 5 : i32
      %div3A_538 = arith.divsi %add3A_534, %div3A_537 : i32
      %add3A_539 = arith.addi %mul3A_536, %div3A_538 : i32
      %rem3A_540 = arith.constant 5 : i32
      %rem3A_541 = arith.remsi %add3A_534, %rem3A_540 : i32
      %mul3A_542 = arith.constant 10 : i32
      %mul3A_543 = arith.muli %rem3A_541, %mul3A_542 : i32
      %scan3A_544 = arith.constant 0 : i32
      %scan3A_545 = arith.constant 0 : i32
      %scan3A_546 = arith.constant 1280 : i32
      %scan3A_547 = arith.addi %scan3A_545, %scan3A_546 : i32
      %scan3A_548 = arith.constant 1 : i32
      scf.for %scan3A_550 = %scan3A_545 to %scan3A_547 step %scan3A_548  : i32 {
        %shift_right_logical3A = arith.constant 7 : i32
        %shift_right_logical3A_551 = arith.shrui %scan3A_550, %shift_right_logical3A : i32
        %and3A = arith.constant 127 : i32
        %and3A_552 = arith.andi %scan3A_550, %and3A : i32
        %mul3A_553 = arith.constant 4128 : i32
        %mul3A_554 = arith.muli %shift_right_logical3A_551, %mul3A_553 : i32
        %add3A_555 = arith.addi %mul3A_554, %and3A_552 : i32
        %broadcast_in_dim3A_556 = vector.broadcast %add3A_555 : i32 to vector<16xi32>
        %add3A_557 = arith.addi %broadcast_in_dim3A_556, %mul3A_5 : vector<16xi32>
        %get3A = arith.index_cast %shift_right_logical3A_551 : i32 to index
        %get3A_558 = arith.index_cast %and3A_552 : i32 to index
        %get3A_559 = arith.constant 0 : index
        %get3A_560 = tpu.vector_load %arg8[%get3A, %get3A_558, %get3A_559] {strides = array<i32>} : memref<10x128x32xf32, #tpu.memory_space<vmem>>, vector<16xf32>,
        %add3A_561 = arith.constant 0 : i32
        %add3A_562 = vector.broadcast %add3A_561 : i32 to vector<16xi32>
        %add3A_563 = arith.addi %add3A_557, %add3A_562 : vector<16xi32>
        tpu.vector_store_idx %arg9[%broadcast_in_dim3A_1, %broadcast_in_dim3A_1, %broadcast_in_dim3A_1, %add3A_563], %get3A_560 : memref<10x4x8x129xf32, #tpu.memory_space<vmem>>[vector<16xi32>, vector<16xi32>, vector<16xi32>, vector<16xi32>], vector<16xf32>,
        %get3A_564 = arith.index_cast %shift_right_logical3A_551 : i32 to index
        %get3A_565 = arith.index_cast %and3A_552 : i32 to index
        %get3A_566 = arith.constant 16 : index
        %get3A_567 = tpu.vector_load %arg8[%get3A_564, %get3A_565, %get3A_566] {strides = array<i32>} : memref<10x128x32xf32, #tpu.memory_space<vmem>>, vector<16xf32>,
        %add3A_568 = arith.constant 2064 : i32
        %add3A_569 = vector.broadcast %add3A_568 : i32 to vector<16xi32>
        %add3A_570 = arith.addi %add3A_557, %add3A_569 : vector<16xi32>
        tpu.vector_store_idx %arg9[%broadcast_in_dim3A_1, %broadcast_in_dim3A_1, %broadcast_in_dim3A_1, %add3A_570], %get3A_567 : memref<10x4x8x129xf32, #tpu.memory_space<vmem>>[vector<16xi32>, vector<16xi32>, vector<16xi32>, vector<16xi32>], vector<16xf32>,
      }
      %scan3A_549 = arith.constant 1280 : i32
      "tpu.region"() ({
        %run_scoped3A = tpu.sem_alloc : memref<!tpu.dma_semaphore, #tpu.memory_space<semaphore_mem>>
        %dma_start3A_550 = arith.constant 0 : i32
        %dma_start3A_551 = arith.constant 0 : i32
        %dma_start3A_552 = arith.constant 0 : i32
        %dma_start3A_553 = arith.constant 0 : i32
        %dma_start3A_554 = tpu.memref_slice %arg9[%dma_start3A_550, %dma_start3A_551, %dma_start3A_552, %dma_start3A_553] : memref<10x4x8x129xf32, #tpu.memory_space<vmem>> -> memref<10x4x8x128xf32, #tpu.memory_space<vmem>>
        %dma_start3A_555 = arith.constant 0 : i32
        %dma_start3A_556 = arith.constant 0 : i32
        %dma_start3A_557 = arith.constant 0 : i32
        %dma_start3A_558 = tpu.memref_slice %arg4[%mul3A_543, %dma_start3A_555, %add3A_539, %dma_start3A_556, %dma_start3A_557] : memref<50x4x128x8x128xf32, #tpu.memory_space<hbm>> -> memref<10x4x1x8x128xf32, #tpu.memory_space<hbm>>
        %dma_start3A_559 = tpu.memref_squeeze %dma_start3A_558 : memref<10x4x1x8x128xf32, #tpu.memory_space<hbm>> -> memref<10x4x8x128xf32, #tpu.memory_space<hbm>>
        %dma_start3A_560 = arith.constant 0 : i32
        %dma_start3A_561 = arith.constant 0 : i32
        %dma_start3A_562 = arith.constant 0 : i32
        %dma_start3A_563 = tpu.memref_slice %arg4[%mul3A_543, %dma_start3A_560, %add3A_539, %dma_start3A_561, %dma_start3A_562] : memref<50x4x128x8x128xf32, #tpu.memory_space<hbm>> -> memref<10x4x1x8x128xf32, #tpu.memory_space<hbm>>
        %dma_start3A_564 = tpu.memref_squeeze %dma_start3A_563 : memref<10x4x1x8x128xf32, #tpu.memory_space<hbm>> -> memref<10x4x8x128xf32, #tpu.memory_space<hbm>>
        %dma_start3A_565 = arith.constant 0 : i32
        %dma_start3A_566 = arith.constant 0 : i32
        %dma_start3A_567 = arith.constant 0 : i32
        %dma_start3A_568 = arith.constant 0 : i32
        %dma_start3A_569 = tpu.memref_slice %arg9[%dma_start3A_565, %dma_start3A_566, %dma_start3A_567, %dma_start3A_568] : memref<10x4x8x129xf32, #tpu.memory_space<vmem>> -> memref<10x4x8x128xf32, #tpu.memory_space<vmem>>
        tpu.enqueue_dma source(%dma_start3A_569 : memref<10x4x8x128xf32, #tpu.memory_space<vmem>>) target(%dma_start3A_564 : memref<10x4x8x128xf32, #tpu.memory_space<hbm>>) target_semaphore(%run_scoped3A : memref<!tpu.dma_semaphore, #tpu.memory_space<semaphore_mem>>)
        %dma_wait3A_570 = arith.constant 0 : i32
        %dma_wait3A_571 = arith.constant 0 : i32
        %dma_wait3A_572 = arith.constant 0 : i32
        %dma_wait3A_573 = arith.constant 0 : i32
        %dma_wait3A_574 = tpu.memref_slice %arg9[%dma_wait3A_570, %dma_wait3A_571, %dma_wait3A_572, %dma_wait3A_573] : memref<10x4x8x129xf32, #tpu.memory_space<vmem>> -> memref<10x4x8x128xf32, #tpu.memory_space<vmem>>
        %dma_wait3A_575 = arith.constant 0 : i32
        %dma_wait3A_576 = arith.constant 0 : i32
        %dma_wait3A_577 = arith.constant 0 : i32
        %dma_wait3A_578 = tpu.memref_slice %arg4[%mul3A_543, %dma_wait3A_575, %add3A_539, %dma_wait3A_576, %dma_wait3A_577] : memref<50x4x128x8x128xf32, #tpu.memory_space<hbm>> -> memref<10x4x1x8x128xf32, #tpu.memory_space<hbm>>
        %dma_wait3A_579 = tpu.memref_squeeze %dma_wait3A_578 : memref<10x4x1x8x128xf32, #tpu.memory_space<hbm>> -> memref<10x4x8x128xf32, #tpu.memory_space<hbm>>
        %dma_wait3A_580 = arith.constant 0 : i32
        %dma_wait3A_581 = arith.constant 0 : i32
        %dma_wait3A_582 = arith.constant 0 : i32
        %dma_wait3A_583 = tpu.memref_slice %arg4[%mul3A_543, %dma_wait3A_580, %add3A_539, %dma_wait3A_581, %dma_wait3A_582] : memref<50x4x128x8x128xf32, #tpu.memory_space<hbm>> -> memref<10x4x1x8x128xf32, #tpu.memory_space<hbm>>
        %dma_wait3A_584 = tpu.memref_squeeze %dma_wait3A_583 : memref<10x4x1x8x128xf32, #tpu.memory_space<hbm>> -> memref<10x4x8x128xf32, #tpu.memory_space<hbm>>
        %dma_wait3A_585 = arith.constant 0 : i32
        %dma_wait3A_586 = arith.constant 0 : i32
        %dma_wait3A_587 = arith.constant 0 : i32
        %dma_wait3A_588 = arith.constant 0 : i32
        %dma_wait3A_589 = tpu.memref_slice %arg9[%dma_wait3A_585, %dma_wait3A_586, %dma_wait3A_587, %dma_wait3A_588] : memref<10x4x8x129xf32, #tpu.memory_space<vmem>> -> memref<10x4x8x128xf32, #tpu.memory_space<vmem>>
        tpu.wait_dma2 semaphore(%run_scoped3A : memref<!tpu.dma_semaphore, #tpu.memory_space<semaphore_mem>>) src(%dma_wait3A_589 : memref<10x4x8x128xf32, #tpu.memory_space<vmem>>) dst(%dma_wait3A_584 : memref<10x4x8x128xf32, #tpu.memory_space<hbm>>)
        tpu.yield
      }) : () -> ()
    }
    %scan3A_140 = arith.constant 10 : i32
    return
  }
}

</mosaic_0001>

<sc_bundles>
// kernel: kernel.3.cloned.1.call-start
scs
__scs_entry_jumppad:
0x0: {  	(pc) =	sbr.rel $0x88, $3  }
0x1: {  	(tag) =	ssettag $0x0;
	lr =	simm.s32 $0x1  }
0x2: {  	[smem:$0x3F9F] =	sst lr;
	_ =	strace $0xD0000000  }
0x3: {  	_ = 	snop  }
0x4: {  	_ = 	snop  }
0x5: {  	_ = 	snop  }
0x6: {  	_ = 	snop  }
0x7: {  	_ = 	snop  }
__scs_overlays_trampoline_lowered:
0x8: {  	[smem:$0x3FAE] =	sst s0  }
0x9: {  	[smem:$0x3FAF] =	sst s1  }
0xa: {  	[smem:$0x3FB0] =	sst s2  }
0xb: {  	[smem:$0x3FB1] =	sst s3  }
0xc: {  	[smem:$0x3FB2] =	sst s4  }
0xd: {  	[smem:$0x3FB3] =	sst s5  }
0xe: {  	[smem:$0x3FB4] =	sst s6  }
0xf: {  	[smem:$0x3FB5] =	sst s7  }
0x10: {  	[smem:$0x3FB6] =	sst s8  }
0x11: {  	[smem:$0x3FB7] =	sst s9;
	s0 =	simm.s32 @!p0 $0x0  }
0x12: {  	s1 =	sld [smem:$0x3F9D];
	s0 =	simm.s32 @p0 $0x1  }
0x13: {  	[smem:$0x3FB8] =	sst s0;
	s0 =	simm.s32 @!p1 $0x0  }
0x14: {  	s2 =	sld [smem:$0x3F9C];
	s0 =	simm.s32 @p1 $0x1  }
0x15: {  	[smem:$0x3FB9] =	sst s0;
	s0 =	simm.s32 @!p2 $0x0  }
0x16: {  	s3 =	sld [smem:$0x3FDB];
	s0 =	simm.s32 @p2 $0x1  }
0x17: {  	s4 =	simm.s32 $0x1BF5;
	[smem:$0x3FBB] =	sst s0  }
0x18: {  	s0 =	sld [smem:$0x3F9E];
	_ =	swait.ge [sflag:s4], $0x0  }
0x19: {  	s7 =	sld [smem:$0x3F9F]  }
0x1a: {  	s8 =	sadd.s32 $0xFFFFE003, lr  }
0x1b: {  	s9 =	sadd.s32 $0xFFFFFEF7, lr;
	s5 =	simm.s32 $0xFFFFFFFF;
	p2 =	slt.u32 s8, $0xFFFFF086  }
0x1c: {  	p1 =	slt.u32 s9, $0xF7A;
	s5 =	simm.s32 @!p2 $0x0  }
0x1d: {  	s5 =	simm.s32 @p1 $0x1;
	p0 =	seq.s32 s7, s2  }
0x1e: {  	s7 =	smul.u32 @!p0 $0xF7A, s2;
	p2 =	seq.s32 @!p0 s5, $0x0  }
0x1f: {  	s9 =	smul.u32 $0xF7A, s1;
	s8 =	simm.s32 @!p0 $0x1BF5;
	p2 =	por !p2, p0  }
0x20: {  	[sflag:s8] =	ssyncset.s32 @!p0 $0xFFFFF086;
	s6 =	sadd.s32 @!p0 s3, s7;
	s7 =	simm.s32 @!p0 $0x108  }
0x21: {  	s3 =	sadd.s32 s3, s9;
	s6 =	sadd.s32 @!p0 $0x88, s6;
	s7 =	simm.s32 @p2 $0x1082  }
0x22: {  	[simem:s7], [sflag:s8] =	dma.local @!p0 [hbm:s6], $0xF7A  }
0x23: {  	s9 =	sor.u32 $0xD0000000, s2;
	s6 =	simm.s32 $0x108;
	_ =	swait.ge @!p0 [sflag:s8], $0x0  }
0x24: {  	s3 =	sadd.s32 $0x88, s3;
	s6 =	simm.s32 @!p1 $0x1082;
	[sflag:s4] =	ssyncset.s32 $0xFFFFF086  }
0x25: {  	[simem:s6], [sflag:s4] =	dma.local [hbm:s3], $0xF7A  }
0x26: {  	[smem:$0x3F9F] =	sst s1;
	(tag) =	ssettag s2;
	_ =	strace s9  }
0x27: {  	s1 =	sld [smem:$0x3FAF]  }
0x28: {  	s2 =	sld [smem:$0x3FB0]  }
0x29: {  	s4 =	sld [smem:$0x3FB2]  }
0x2a: {  	p0 =	seq.s32 s5, $0x0;
	s5 =	sld [smem:$0x3FB3]  }
0x2b: {  	s6 =	sld [smem:$0x3FB4]  }
0x2c: {  	s7 =	sld [smem:$0x3FB5]  }
0x2d: {  	s3 =	simm.s32 $0x108;
	s8 =	sld [smem:$0x3FB6]  }
0x2e: {  	s3 =	simm.s32 @!p0 $0x1082;
	s9 =	sld [smem:$0x3FB7]  }
0x2f: {  	lr =	sadd.s32 s0, s3;
	s0 =	sld [smem:$0x3FAE]  }
0x30: {  	s3 =	sld [smem:$0x3FB1]  }
0x31: {  	[smem:$0x3FBA] =	sst s10  }
0x32: {  	s10 =	sld [smem:$0x3FB8];
	_ =	sdelay $0x3  }
0x33: {  	p0 =	seq.s32 s10, $0x1;
	s10 =	sld [smem:$0x3FBA];
	_ =	sdelay $0x3  }
0x34: {  	[smem:$0x3FBA] =	sst s10  }
0x35: {  	s10 =	sld [smem:$0x3FB9];
	_ =	sdelay $0x3  }
0x36: {  	p1 =	seq.s32 s10, $0x1;
	s10 =	sld [smem:$0x3FBA];
	_ =	sdelay $0x3  }
0x37: {  	[smem:$0x3FBA] =	sst s10  }
0x38: {  	s10 =	sld [smem:$0x3FBB]  }
0x39: {  	_ = 	snop;
	(pc) =	sbr.ind lr, $3  }
0x3a: {  	_ = 	snop  }
0x3b: {  	_ = 	snop  }
0x3c: {  	p2 =	seq.s32 s10, $0x1;
	s10 =	sld [smem:$0x3FBA]  }
0x3d: {  	_ =	shalt  }
0x3e: {  	_ =	shalt  }
0x3f: {  	_ =	shalt  }
0x40: {  	_ =	shalt  }
0x41: {  	_ =	shalt  }
0x42: {  	_ =	shalt  }
0x43: {  	_ =	shalt  }
0x44: {  	_ =	shalt  }
0x45: {  	_ =	shalt  }
0x46: {  	_ =	shalt  }
0x47: {  	_ =	shalt  }
0x48: {  	_ =	shalt  }
0x49: {  	_ =	shalt  }
0x4a: {  	_ =	shalt  }
0x4b: {  	_ =	shalt  }
0x4c: {  	_ =	shalt  }
0x4d: {  	_ =	shalt  }
0x4e: {  	_ =	shalt  }
0x4f: {  	_ =	shalt  }
0x50: {  	_ =	shalt  }
0x51: {  	_ =	shalt  }
0x52: {  	_ =	shalt  }
0x53: {  	_ =	shalt  }
0x54: {  	_ =	shalt  }
0x55: {  	_ =	shalt  }
0x56: {  	_ =	shalt  }
0x57: {  	_ =	shalt  }
0x58: {  	_ =	shalt  }
0x59: {  	_ =	shalt  }
0x5a: {  	_ =	shalt  }
0x5b: {  	_ =	shalt  }
0x5c: {  	_ =	shalt  }
0x5d: {  	_ =	shalt  }
0x5e: {  	_ =	shalt  }
0x5f: {  	_ =	shalt  }
0x60: {  	_ =	shalt  }
0x61: {  	_ =	shalt  }
0x62: {  	_ =	shalt  }
0x63: {  	_ =	shalt  }
0x64: {  	_ =	shalt  }
0x65: {  	_ =	shalt  }
0x66: {  	_ =	shalt  }
0x67: {  	_ =	shalt  }
0x68: {  	_ =	shalt  }
0x69: {  	_ =	shalt  }
0x6a: {  	_ =	shalt  }
0x6b: {  	_ =	shalt  }
0x6c: {  	_ =	shalt  }
0x6d: {  	_ =	shalt  }
0x6e: {  	_ =	shalt  }
0x6f: {  	_ =	shalt  }
0x70: {  	_ =	shalt  }
0x71: {  	_ =	shalt  }
0x72: {  	_ =	shalt  }
0x73: {  	_ =	shalt  }
0x74: {  	_ =	shalt  }
0x75: {  	_ =	shalt  }
0x76: {  	_ =	shalt  }
0x77: {  	_ =	shalt  }
0x78: {  	_ =	shalt  }
0x79: {  	_ =	shalt  }
0x7a: {  	_ =	shalt  }
0x7b: {  	_ =	shalt  }
0x7c: {  	_ =	shalt  }
0x7d: {  	_ =	shalt  }
0x7e: {  	_ =	shalt  }
0x7f: {  	_ =	shalt  }
0x80: {  	_ =	shalt  }
0x81: {  	_ =	shalt  }
0x82: {  	_ =	shalt  }
0x83: {  	_ =	shalt  }
0x84: {  	_ =	shalt  }
0x85: {  	_ =	shalt  }
0x86: {  	_ =	shalt  }
0x87: {  	_ =	shalt  }
.Lfunc_end0:
.L_simem_size_0:
called_computation_lowered:
.L_overlay_start_0:
0x88: {  	s2 =	sld [smem:$0x3FD9]  }
0x89: {  	s3 =	sld [smem:$0x3FFE];
	_ =	sdelay $0x1  }
0x8a: {  	s1 =	srdreg.scid  }
0x8b: {  	s0 =	sand.u32 $0x1, s1  }
0x8c: {  	s17 =	sshll.u32 s0, $0xA;
	s2 =	sadd.s32 s3, s2  }
0x8d: {  	s2 =	sadd.s32 s2, s17  }
0x8e: {  	[smem:$0x3FC6] =	sst s2  }
0x8f: {  	_ = 	snop  }
0x90: {  	s2 =	sld [smem:$0x3FD0];
	(tm) =	ssettm $0x1  }
0x91: {  	s18 =	sld [smem:$0x3FFB];
	_ =	sdelay $0x3  }
0x92: {  	_ =	strace s18  }
0x93: {  	s3 =	sld [smem:$0x3FFC];
	_ =	sdelay $0x3  }
0x94: {  	_ =	strace s3  }
0x95: {  	s3 =	sld [smem:$0x3FFD];
	_ =	sdelay $0x3  }
0x96: {  	_ =	strace s3  }
0x97: {  	_ =	strace $0x8FFFFFFF  }
0x98: {  	s19 =	sld [smem:$0x3FDB];
	_ =	sdelay $0x1  }
0x99: {  	s4 =	simm.s32 $_scs_section_size  }
0x9a: {  	s5 =	simm.s32 $_size__tile_overlayer_lowered;
	s6 =	simm.s32 $_tile_overlayer_lowered  }
0x9b: {  	s22 =	simm.s32 $0x1BFF;
	s21 =	sshll.u32 s6, $0x1;
	s3 =	sadd.s32 s4, s19  }
0x9c: {  	s7 =	simm.s32 $0x0;
	s20 =	sshll.u32 s5, $0x1;
	s5 =	sadd.s32 s21, s3  }
0x9d: {  	[timem:s7], [sflag:s22] =	dma.local [hbm:s5], s20  }
0x9e: {  	_ =	swait.ge [sflag:s22], s20  }
0x9f: {  	s4 =	ssub.s32 $0x0, s20;
	[sflag:s22] =	ssyncset.done $0x0  }
0xa0: {  	[sflag:s22] =	ssyncadd.s32 s4;
	_ =	sdelay $0x1  }
0xa1: {  	s23 =	simm.s32 $0x1B8B  }
0xa2: {  	_ =	swait.ge [sflag:s23], $0x1  }
0xa3: {  	[sflag:s23] =	ssyncset.done $0x0  }
0xa4: {  	s25 =	simm.s32 $0x1B8E;
	s24 =	sld [smem:$0x3FFE];
	[sflag:s23] =	ssyncadd.s32 $0xFFFFFFFF  }
0xa5: {  	s26 =	simm.s32 $execute0_lowered;
	[smem:$0x3FD2] =	sst s25  }
0xa6: {  	s5 =	sshll.u32 s26, $0x1;
	_ =	strace $0x80000046;
	[dreg:$0x1] =	wrdreg $0xFFFFFFFF  }
0xa7: {  	s28 =	simm.s32 $_size_execute0_lowered;
	s3 =	sadd.s32 s3, s5;
	[dreg:$0x0] =	wrdreg $0x0  }
0xa8: {  	s5 =	sshll.u32 s28, $0x1;
	[dreg:$0x2] =	wrdreg s3  }
0xa9: {  	[dreg:$0x3] =	wrdreg s5  }
0xaa: {  	[dreg:$0x4] =	wrdreg $0xC0  }
0xab: {  	_ =	task [dreg:s7], $0x5FFFF  }
0xac: {  	[dreg:$0x1] =	wrdreg $0xFFFFFFFF  }
0xad: {  	[dreg:$0x0] =	wrdreg $0x60  }
0xae: {  	[dreg:$0x2] =	wrdreg s24  }
0xaf: {  	[dreg:$0x3] =	wrdreg s2  }
0xb0: {  	[dreg:$0x4] =	wrdreg $0x9  }
0xb1: {  	_ =	task.clear_ibuf [dreg:s7], $0x5FFFF;
	_ =	strace $0x90000046  }
0xb2: {  	s29 =	simm.s32 $0x9;
	_ =	strace $0x80000048  }
0xb3: {  	_ =	swait.ge [sflag:s29], $0x1  }
0xb4: {  	[sflag:s29] =	ssyncadd.s32 $0xFFFFFFFF  }
0xb5: {  	_ =	strace $0x90000048  }
0xb6: {  	_ =	sfence  }
0xb7: {  	s30 =	sld [smem:$0x0];
	_ =	sdelay $0x2  }
0xb8: {  	s31 =	sshll.u32 s1, $0xD;
	s1 =	sshrl.u32 s1, $0x2  }
0xb9: {  	s3 =	sand.u32 $0x4000, s31;
	s1 =	sadd.s32 s1, s30  }
0xba: {  	s0 =	sor.u32 s3, s0;
	s1 =	sshll.u32 s1, $0x11  }
0xbb: {  	s0 =	sor.u32 s1, s0  }
0xbc: {  	s0 =	sadd.s32 $0x8F2B, s0  }
0xbd: {  	[sflag:s0] =	ssyncadd.remote.s32 $0x1  }
0xbe: {  	_ =	sfence.sel $0xFFFF  }
0xbf: {  	[dreg:$0x0] =	wrdreg $0xFFFFFFFF;
	(pc) =	sbr.abs _section_cstart, $3  }
0xc0: {  	[dreg:$0x1] =	wrdreg $0xFFFFFFFF  }
0xc1: {  	_ =	task.clear_ibuf [dreg:s7], $0x2FFFF;
	_ =	strace $0x9FFFFFFF  }
0xc2: {  	(tm) =	ssettm $0x7FFFFFFF  }
0xc3: {  	_ =	shalt  }
tec
execute0_lowered:
.L_overlay_start_1:
0x0: {  	(tag) =	ssettag $0x1  }
0x1: {  	s0 =	rddreg [dreg:$0x0]  }
0x2: {  	s1 =	rddreg [dreg:$0x1]  }
0x3: {  	s3 =	simm.s32 $0x0;
	s2 =	srdreg.scid;
	s4 =	stileid.u32  }
0x4: {  	s9 =	simm.s32 $0x80;
	s11 =	simm.s32 $0x3;
	s31 =	simm.s32 $0x500  }
0x5: {  	s19 =	simm.s32 $0x780;
	s20 =	simm.s32 $0xFA00;
	s21 =	simm.s32 $0x800  }
0x6: {  	s22 =	simm.s32 $0x10A00;
	s23 =	simm.s32 $0x880;
	s24 =	simm.s32 $0x11A00  }
0x7: {  	s28 =	simm.s32 $0x980;
	s29 =	simm.s32 $0x13A00;
	s30 =	simm.s32 $0x1  }
0x8: {  	s8 =	simm.s32 $0x2;
	[smem:$0x7FF] =	sst s3;
	s2 =	sand.u32 $0x1, s2  }
0x9: {  	s5 =	sshll.u32 s4, $0x1;
	s4 =	sadd.s32 $0x600, s0;
	s6 =	ssub.s32 $0x2, s2  }
0xa: {  	_ =	strace $0x80000047;
	s2 =	sor.u32 s2, s5;
	s7 =	sshrl.u32 s6, $0x1  }
0xb: {  	v0 =	vlaneseq.u32;
	s5 =	sadd.s32 $0xF42A00, s0;
	s26 =	sshll.u32 s2, $0x6;
	s25 =	ssub.s32 s6, s7  }
0xc: {  	v0 =	vmul.u32 $0x81, v0;
	s6 =	sadd.s32 s4, s26;
	s7 =	sshll.u32 s2, $0x2;
	s26 =	simm.s32 $0x12A00  }
0xd: {  	s2 =	simm.s32 $0x0;
	[dreg:$0x3] =	wrdreg s6;
	s0 =	smax.u32 s25, $0x1  }
0xe: {  	v1 =	vadd.s32 $0x810, v0;
	s25 =	simm.s32 $0x900;
	s6 =	simm.s32 $0x14A00;
	[dreg:$0x4] =	wrdreg s0  }
.LBB2_1:
0xf: {  	[dreg:$0x5] =	wrdreg s2  }
0x10: {  	s0 =	rddreg [dreg:$0x3];
	s17 =	simm.s32 $0x4000  }
0x11: {  	[tilespmem:s3], [sflag:$0x3] =	stream.strided.gather [hbm4b:s0+s9], $0x500, s17, s9, $0x38;
	[tilespmem:$0x1F400] =	vst v63  }
0x12: {  	_ =	swait.ge [sflag:s11], $0x500  }
0x13: {  	[sflag:s11] =	ssyncset.done $0x0  }
0x14: {  	s18 =	simm.s32 $0xA00;
	[sflag:s11] =	ssyncadd.s32 $0xFFFFFB00  }
0x15: {  	[tilespmem:s18], [sflag:$0x1] =	stream.indirect.gather [hbm4b:s5+s9], $0x20, s3, s9, $0xb8;
	[tilespmem:$0x1F400] =	vst v63  }
0x16: {  	s2 =	simm.s32 $0x1A00  }
0x17: {  	[tilespmem:s2], [sflag:$0x1] =	stream.indirect.gather [hbm4b:s5+s9], $0x20, s9, s9, $0xb8;
	[tilespmem:$0x1F400] =	vst v63  }
0x18: {  	s10 =	simm.s32 $0x100;
	s12 =	simm.s32 $0x2A00  }
0x19: {  	[tilespmem:s12], [sflag:$0x1] =	stream.indirect.gather [hbm4b:s5+s9], $0x20, s10, s9, $0xb8;
	[tilespmem:$0x1F400] =	vst v63  }
0x1a: {  	s13 =	simm.s32 $0x180;
	s14 =	simm.s32 $0x3A00  }
0x1b: {  	[tilespmem:s14], [sflag:$0x1] =	stream.indirect.gather [hbm4b:s5+s9], $0x20, s13, s9, $0xb8;
	[tilespmem:$0x1F400] =	vst v63  }
0x1c: {  	s15 =	simm.s32 $0x200;
	s16 =	simm.s32 $0x4A00  }
0x1d: {  	[tilespmem:s16], [sflag:$0x1] =	stream.indirect.gather [hbm4b:s5+s9], $0x20, s15, s9, $0xb8;
	[tilespmem:$0x1F400] =	vst v63  }
0x1e: {  	s17 =	simm.s32 $0x280;
	s18 =	simm.s32 $0x5A00  }
0x1f: {  	[tilespmem:s18], [sflag:$0x1] =	stream.indirect.gather [hbm4b:s5+s9], $0x20, s17, s9, $0xb8;
	[tilespmem:$0x1F400] =	vst v63  }
0x20: {  	s10 =	simm.s32 $0x300;
	s12 =	simm.s32 $0x6A00  }
0x21: {  	[tilespmem:s12], [sflag:$0x1] =	stream.indirect.gather [hbm4b:s5+s9], $0x20, s10, s9, $0xb8;
	[tilespmem:$0x1F400] =	vst v63  }
0x22: {  	s13 =	simm.s32 $0x380;
	s14 =	simm.s32 $0x7A00  }
0x23: {  	[tilespmem:s14], [sflag:$0x1] =	stream.indirect.gather [hbm4b:s5+s9], $0x20, s13, s9, $0xb8;
	[tilespmem:$0x1F400] =	vst v63  }
0x24: {  	s15 =	simm.s32 $0x400;
	s16 =	simm.s32 $0x8A00  }
0x25: {  	[tilespmem:s16], [sflag:$0x1] =	stream.indirect.gather [hbm4b:s5+s9], $0x20, s15, s9, $0xb8;
	[tilespmem:$0x1F400] =	vst v63  }
0x26: {  	s17 =	simm.s32 $0x480;
	s18 =	simm.s32 $0x9A00;
	s10 =	simm.s32 $0x0  }
0x27: {  	[tilespmem:s18], [sflag:$0x1] =	stream.indirect.gather [hbm4b:s5+s9], $0x20, s17, s9, $0xb8;
	[tilespmem:$0x1F400] =	vst v63  }
.LBB2_2:
0x28: {  	s0 =	sshllo.u32 s10, $0x1  }
0x29: {  	s2 =	sand.u32 $0xFF, s0  }
0x2a: {  	s2 =	smul.u32 $0xCD, s2;
	_ =	sdelay $0x1  }
0x2b: {  	s12 =	sshrl.u32 s2, $0xA  }
0x2c: {  	s2 =	smul.u32 $0x5, s12;
	_ =	sdelay $0x1  }
0x2d: {  	s0 =	ssub.s32 s0, s2  }
0x2e: {  	s2 =	sand.u32 $0xFF, s0  }
0x2f: {  	s0 =	sadd.s32 s12, s7;
	s17 =	smul.u32 $0x28000, s2  }
0x30: {  	s13 =	sshll.u32 s0, $0x7  }
0x31: {  	s12 =	sor.u32 s17, s13  }
0x32: {  	s12 =	sshrl.u32 s12, $0x3  }
0x33: {  	s18 =	simm.s32 $0x4000;
	s12 =	sadd.s32 s4, s12  }
0x34: {  	[tilespmem:s31], [sflag:$0x3] =	stream.strided.gather [hbm4b:s12+s9], $0x500, s18, s9, $0x38;
	[tilespmem:$0x1F400] =	vst v63  }
0x35: {  	_ =	swait.ge [sflag:s11], $0x500  }
0x36: {  	[sflag:s11] =	ssyncset.done $0x0  }
0x37: {  	s14 =	simm.s32 $0xAA00;
	[sflag:s11] =	ssyncadd.s32 $0xFFFFFB00  }
0x38: {  	[tilespmem:s14], [sflag:$0x2] =	stream.indirect.gather [hbm4b:s5+s9], $0x20, s31, s9, $0xb8;
	[tilespmem:$0x1F400] =	vst v63  }
0x39: {  	s15 =	simm.s32 $0x580;
	s16 =	simm.s32 $0xBA00  }
0x3a: {  	[tilespmem:s16], [sflag:$0x2] =	stream.indirect.gather [hbm4b:s5+s9], $0x20, s15, s9, $0xb8;
	[tilespmem:$0x1F400] =	vst v63  }
0x3b: {  	s17 =	simm.s32 $0x600;
	s18 =	simm.s32 $0xCA00  }
0x3c: {  	[tilespmem:s18], [sflag:$0x2] =	stream.indirect.gather [hbm4b:s5+s9], $0x20, s17, s9, $0xb8;
	[tilespmem:$0x1F400] =	vst v63  }
0x3d: {  	s13 =	simm.s32 $0x680;
	s14 =	simm.s32 $0xDA00  }
0x3e: {  	[tilespmem:s14], [sflag:$0x2] =	stream.indirect.gather [hbm4b:s5+s9], $0x20, s13, s9, $0xb8;
	[tilespmem:$0x1F400] =	vst v63  }
0x3f: {  	s15 =	simm.s32 $0x700;
	s16 =	simm.s32 $0xEA00  }
0x40: {  	[tilespmem:s16], [sflag:$0x2] =	stream.indirect.gather [hbm4b:s5+s9], $0x20, s15, s9, $0xb8;
	[tilespmem:$0x1F400] =	vst v63  }
0x41: {  	_ = 	snop  }
0x42: {  	[tilespmem:s20], [sflag:$0x2] =	stream.indirect.gather [hbm4b:s5+s9], $0x20, s19, s9, $0xb8;
	[tilespmem:$0x1F400] =	vst v63  }
0x43: {  	_ = 	snop  }
0x44: {  	[tilespmem:s22], [sflag:$0x2] =	stream.indirect.gather [hbm4b:s5+s9], $0x20, s21, s9, $0xb8;
	[tilespmem:$0x1F400] =	vst v63  }
0x45: {  	_ = 	snop  }
0x46: {  	[tilespmem:s24], [sflag:$0x2] =	stream.indirect.gather [hbm4b:s5+s9], $0x20, s23, s9, $0xb8;
	[tilespmem:$0x1F400] =	vst v63  }
0x47: {  	_ = 	snop  }
0x48: {  	[tilespmem:s26], [sflag:$0x2] =	stream.indirect.gather [hbm4b:s5+s9], $0x20, s25, s9, $0xb8;
	[tilespmem:$0x1F400] =	vst v63  }
0x49: {  	_ = 	snop  }
0x4a: {  	[tilespmem:s29], [sflag:$0x2] =	stream.indirect.gather [hbm4b:s5+s9], $0x20, s28, s9, $0xb8;
	[tilespmem:$0x1F400] =	vst v63  }
0x4b: {  	_ =	swait.ge [sflag:s30], $0x1000  }
0x4c: {  	[sflag:s30] =	ssyncset.done $0x0  }
0x4d: {  	[sflag:s30] =	ssyncadd.s32 $0xFFFFF000  }
0x4e: {  	_ =	swait.ge [sflag:s30], $0x1000  }
0x4f: {  	[sflag:s30] =	ssyncset.done $0x0  }
0x50: {  	[sflag:s30] =	ssyncadd.s32 $0xFFFFF000  }
0x51: {  	_ =	swait.ge [sflag:s30], $0x1000  }
0x52: {  	[sflag:s30] =	ssyncset.done $0x0  }
0x53: {  	[sflag:s30] =	ssyncadd.s32 $0xFFFFF000  }
0x54: {  	_ =	swait.ge [sflag:s30], $0x1000  }
0x55: {  	[sflag:s30] =	ssyncset.done $0x0  }
0x56: {  	[sflag:s30] =	ssyncadd.s32 $0xFFFFF000  }
0x57: {  	_ =	swait.ge [sflag:s30], $0x1000  }
0x58: {  	[sflag:s30] =	ssyncset.done $0x0  }
0x59: {  	[sflag:s30] =	ssyncadd.s32 $0xFFFFF000  }
0x5a: {  	_ =	swait.ge [sflag:s30], $0x1000  }
0x5b: {  	[sflag:s30] =	ssyncset.done $0x0  }
0x5c: {  	[sflag:s30] =	ssyncadd.s32 $0xFFFFF000  }
0x5d: {  	_ =	swait.ge [sflag:s30], $0x1000  }
0x5e: {  	[sflag:s30] =	ssyncset.done $0x0  }
0x5f: {  	[sflag:s30] =	ssyncadd.s32 $0xFFFFF000  }
0x60: {  	_ =	swait.ge [sflag:s30], $0x1000  }
0x61: {  	[sflag:s30] =	ssyncset.done $0x0  }
0x62: {  	[sflag:s30] =	ssyncadd.s32 $0xFFFFF000  }
0x63: {  	_ =	swait.ge [sflag:s30], $0x1000  }
0x64: {  	s17 =	simm.s32 $0x0;
	[sflag:s30] =	ssyncset.done $0x0  }
0x65: {  	s18 =	simm.s32 $0x0;
	s12 =	sand.u32 $0x7F, s17;
	[sflag:s30] =	ssyncadd.s32 $0xFFFFF000  }
0x66: {  	s13 =	smul.u32 $0x1020, s18;
	s14 =	simm.s32 $0x0;
	_ =	swait.ge [sflag:s30], $0x1000  }
0x67: {  	s14 =	sand.u32 $0x3FFFF000, s14;
	s15 =	sshll.u32 s12, $0x5;
	[sflag:s30] =	ssyncset.done $0x0  }
0x68: {  	s16 =	sadd.s32 s12, s13;
	s14 =	sor.u32 s15, s14;
	[sflag:s30] =	ssyncadd.s32 $0xFFFFF000  }
0x69: {  	v2 =	vadd.s32 s16, v0;
	v3 =	vld [tilespmem:s14+$0xA00];
	_ =	sdelay $0x4  }
0x6a: {  	[tilespmem:v2+s6+$0x0] =	vst.idx.msk $0xffff, v3  }
0x6b: {  	v3 =	vadd.s32 s16, v1;
	v2 =	vld [tilespmem:s14+$0xA10]  }
0x6c: {  	s12 =	sshll.u32 s10, $0x1;
	s13 =	simm.s32 $0x1  }
0x6d: {  	s15 =	sand.u32 $0x7F, s13;
	s16 =	simm.s32 $0x0;
	s14 =	simm.s32 $0x2  }
.LBB2_3:
0x6e: {  	p0 =	sne.s32 s14, $0x4FF;
	s16 =	smul.u32 $0x1020, s16;
	s13 =	sshll.u32 s13, $0x5  }
0x6f: {  	s18 =	sshll.u32 s15, $0x5;
	s17 =	sand.u32 $0x3FFFF000, s13;
	s13 =	smov.u32 s14  }
0x70: {  	s15 =	sadd.s32 s15, s16;
	s16 =	sor.u32 s18, s17;
	[tilespmem:v3+s6+$0x0] =	vst.idx.msk $0xffff, v2  }
0x71: {  	v2 =	vadd.s32 s15, v0;
	v3 =	vld [tilespmem:s16+$0xA00];
	_ =	sdelay $0x3  }
.Ltmp0:
0x72: {  	(pc) =	sbr.rel @p0 .LBB2_3-.Ltmp0, $3  }
0x73: {  	[tilespmem:v2+s6+$0x0] =	vst.idx.msk $0xffff, v3  }
0x74: {  	v3 =	vadd.s32 s15, v1;
	v2 =	vld [tilespmem:s16+$0xA10];
	_ =	sdelay $0x1  }
0x75: {  	s14 =	sadd.s32 $0x1, s14;
	s15 =	sand.u32 $0x7F, s13;
	s16 =	sshrl.u32 s13, $0x7  }
0x76: {  	_ =	sdelay $0x1  }
0x77: {  	s14 =	smul.u32 $0x1020, s16;
	s13 =	sshll.u32 s13, $0x5  }
0x78: {  	s18 =	sshll.u32 s15, $0x5;
	s13 =	sand.u32 $0x3FFFF000, s13  }
0x79: {  	s17 =	sand.u32 $0xFF, s12;
	s14 =	sadd.s32 s15, s14;
	s13 =	sor.u32 s18, s13;
	[tilespmem:v3+s6+$0x0] =	vst.idx.msk $0xffff, v2  }
0x7a: {  	s15 =	smul.u32 $0xCD, s17;
	v2 =	vadd.s32 s14, v0;
	v3 =	vld [tilespmem:s13+$0xA00];
	_ =	sdelay $0x1  }
0x7b: {  	s15 =	sshrl.u32 s15, $0xA  }
0x7c: {  	s18 =	smul.u32 $0x5, s15;
	_ =	sdelay $0x1  }
0x7d: {  	s16 =	ssub.s32 s12, s18;
	[tilespmem:v2+s6+$0x0] =	vst.idx.msk $0xffff, v3  }
0x7e: {  	v3 =	vadd.s32 s14, v1;
	s16 =	sand.u32 $0xFF, s16;
	v2 =	vld [tilespmem:s13+$0xA10]  }
0x7f: {  	s17 =	sadd.s32 s15, s7;
	s13 =	smul.u32 $0x500000, s16  }
0x80: {  	s14 =	sshll.u32 s17, $0xA  }
0x81: {  	s13 =	sor.u32 s13, s14  }
0x82: {  	s13 =	sshrl.u32 s13, $0x3  }
0x83: {  	s18 =	simm.s32 $0x14A00;
	s14 =	sadd.s32 s1, s13;
	[tilespmem:v3+s6+$0x0] =	vst.idx.msk $0xffff, v2  }
0x84: {  	[hbm4b:s14+s3] =	stream.linear.scatter [tilespmem:s18], [sflag:$0x3], $0x80, $0x38;
	[tilespmem:$0x1F400] =	vst v63  }
0x85: {  	s15 =	simm.s32 $0x14A88;
	s16 =	sadd.s32 $0x10, s14  }
0x86: {  	[hbm4b:s16+s3] =	stream.linear.scatter [tilespmem:s15], [sflag:$0x3], $0x80, $0x38;
	[tilespmem:$0x1F400] =	vst v63  }
0x87: {  	s17 =	simm.s32 $0x14B10;
	s18 =	sadd.s32 $0x20, s14  }
0x88: {  	[hbm4b:s18+s3] =	stream.linear.scatter [tilespmem:s17], [sflag:$0x3], $0x80, $0x38;
	[tilespmem:$0x1F400] =	vst v63  }
0x89: {  	s15 =	simm.s32 $0x14B98;
	s16 =	sadd.s32 $0x30, s14  }
0x8a: {  	[hbm4b:s16+s3] =	stream.linear.scatter [tilespmem:s15], [sflag:$0x3], $0x80, $0x38;
	[tilespmem:$0x1F400] =	vst v63  }
0x8b: {  	s17 =	simm.s32 $0x14C20;
	s18 =	sadd.s32 $0x40, s14  }
0x8c: {  	[hbm4b:s18+s3] =	stream.linear.scatter [tilespmem:s17], [sflag:$0x3], $0x80, $0x38;
	[tilespmem:$0x1F400] =	vst v63  }
0x8d: {  	s13 =	simm.s32 $0x440;
	s15 =	simm.s32 $0x14CA8;
	s16 =	sadd.s32 $0x50, s14  }
0x8e: {  	[hbm4b:s16+s3] =	stream.linear.scatter [tilespmem:s15], [sflag:$0x3], $0x80, $0x38;
	[tilespmem:$0x1F400] =	vst v63  }
0x8f: {  	s17 =	simm.s32 $0x14D30;
	s18 =	sadd.s32 $0x60, s14;
	s15 =	simm.s32 $0x2200  }
0x90: {  	[hbm4b:s18+s3] =	stream.linear.scatter [tilespmem:s17], [sflag:$0x3], $0x80, $0x38;
	[tilespmem:$0x1F400] =	vst v63  }
0x91: {  	s16 =	simm.s32 $0x14DB8;
	s17 =	sadd.s32 $0x70, s14;
	s14 =	sadd.s32 $0x4000, s14  }
.LBB2_5:
0x92: {  	[hbm4b:s17+s3] =	stream.linear.scatter [tilespmem:s16], [sflag:$0x3], $0x80, $0x38;
	[tilespmem:$0x1F400] =	vst v63  }
0x93: {  	s16 =	smov.u32 s13;
	s13 =	smov.u32 s15  }
0x94: {  	s18 =	sadd.s32 $0x1100, s15;
	s13 =	sshra.s32 s13, $0x2;
	s17 =	sadd.s32 $0x14A00, s16  }
0x95: {  	[hbm4b:s14+s3] =	stream.linear.scatter [tilespmem:s17], [sflag:$0x3], $0x80, $0x38;
	[tilespmem:$0x1F400] =	vst v63  }
0x96: {  	p0 =	sne.s32 s15, $0x29700;
	s15 =	sadd.s32 $0x14A88, s16;
	s17 =	sadd.s32 $0x10, s14  }
0x97: {  	[hbm4b:s17+s3] =	stream.linear.scatter [tilespmem:s15], [sflag:$0x3], $0x80, $0x38;
	[tilespmem:$0x1F400] =	vst v63  }
0x98: {  	s15 =	sadd.s32 $0x14B10, s16;
	s17 =	sadd.s32 $0x20, s14  }
0x99: {  	[hbm4b:s17+s3] =	stream.linear.scatter [tilespmem:s15], [sflag:$0x3], $0x80, $0x38;
	[tilespmem:$0x1F400] =	vst v63  }
0x9a: {  	s15 =	sadd.s32 $0x14B98, s16;
	s17 =	sadd.s32 $0x30, s14  }
0x9b: {  	[hbm4b:s17+s3] =	stream.linear.scatter [tilespmem:s15], [sflag:$0x3], $0x80, $0x38;
	[tilespmem:$0x1F400] =	vst v63  }
0x9c: {  	s15 =	sadd.s32 $0x14C20, s16;
	s17 =	sadd.s32 $0x40, s14  }
0x9d: {  	[hbm4b:s17+s3] =	stream.linear.scatter [tilespmem:s15], [sflag:$0x3], $0x80, $0x38;
	[tilespmem:$0x1F400] =	vst v63  }
.Ltmp1:
0x9e: {  	s15 =	sadd.s32 $0x14CA8, s16;
	s17 =	sadd.s32 $0x50, s14;
	(pc) =	sbr.rel @p0 .LBB2_5-.Ltmp1, $4  }
0x9f: {  	[hbm4b:s17+s3] =	stream.linear.scatter [tilespmem:s15], [sflag:$0x3], $0x80, $0x38;
	[tilespmem:$0x1F400] =	vst v63  }
0xa0: {  	s15 =	sadd.s32 $0x14D30, s16;
	s17 =	sadd.s32 $0x60, s14;
	s16 =	sadd.s32 $0x14DB8, s16  }
0xa1: {  	[hbm4b:s17+s3] =	stream.linear.scatter [tilespmem:s15], [sflag:$0x3], $0x80, $0x38;
	[tilespmem:$0x1F400] =	vst v63  }
0xa2: {  	s17 =	sadd.s32 $0x70, s14;
	s14 =	sadd.s32 $0x4000, s14;
	s15 =	smov.u32 s18  }
0xa3: {  	[hbm4b:s17+s3] =	stream.linear.scatter [tilespmem:s16], [sflag:$0x3], $0x80, $0x38;
	[tilespmem:$0x1F400] =	vst v63  }
0xa4: {  	s15 =	sadd.s32 $0x14A00, s13  }
0xa5: {  	[hbm4b:s14+s3] =	stream.linear.scatter [tilespmem:s15], [sflag:$0x3], $0x80, $0x38;
	[tilespmem:$0x1F400] =	vst v63  }
0xa6: {  	s17 =	sadd.s32 $0x14A88, s13;
	s18 =	sadd.s32 $0x10, s14  }
0xa7: {  	[hbm4b:s18+s3] =	stream.linear.scatter [tilespmem:s17], [sflag:$0x3], $0x80, $0x38;
	[tilespmem:$0x1F400] =	vst v63  }
0xa8: {  	s17 =	sadd.s32 $0x14B10, s13;
	s18 =	sadd.s32 $0x20, s14  }
0xa9: {  	[hbm4b:s18+s3] =	stream.linear.scatter [tilespmem:s17], [sflag:$0x3], $0x80, $0x38;
	[tilespmem:$0x1F400] =	vst v63  }
0xaa: {  	s17 =	sadd.s32 $0x14B98, s13;
	s18 =	sadd.s32 $0x30, s14  }
0xab: {  	[hbm4b:s18+s3] =	stream.linear.scatter [tilespmem:s17], [sflag:$0x3], $0x80, $0x38;
	[tilespmem:$0x1F400] =	vst v63  }
0xac: {  	p0 =	seq.s32 s10, $0x9;
	s17 =	sadd.s32 $0x14C20, s13;
	s18 =	sadd.s32 $0x40, s14  }
0xad: {  	[hbm4b:s18+s3] =	stream.linear.scatter [tilespmem:s17], [sflag:$0x3], $0x80, $0x38;
	[tilespmem:$0x1F400] =	vst v63  }
0xae: {  	s12 =	sadd.s32 @!p0 $0x2, s12;
	s17 =	sadd.s32 $0x14CA8, s13;
	s18 =	sadd.s32 $0x50, s14  }
0xaf: {  	[hbm4b:s18+s3] =	stream.linear.scatter [tilespmem:s17], [sflag:$0x3], $0x80, $0x38;
	[tilespmem:$0x1F400] =	vst v63  }
0xb0: {  	s16 =	sadd.s32 $0x14D30, s13;
	s18 =	sadd.s32 $0x60, s14;
	s17 =	smulhi.u32 @!p0 $0x66666667, s12  }
0xb1: {  	[hbm4b:s18+s3] =	stream.linear.scatter [tilespmem:s16], [sflag:$0x3], $0x80, $0x38;
	[tilespmem:$0x1F400] =	vst v63  }
0xb2: {  	s15 =	sshrl.u32 @!p0 s17, $0x1  }
0xb3: {  	s17 =	sadd.s32 $0x14DB8, s13;
	s18 =	sadd.s32 $0x70, s14;
	s16 =	smul.u32 @!p0 $0x5, s15  }
0xb4: {  	[hbm4b:s18+s3] =	stream.linear.scatter [tilespmem:s17], [sflag:$0x3], $0x80, $0x38;
	[tilespmem:$0x1F400] =	vst v63  }
0xb5: {  	s12 =	ssub.s32 @!p0 s12, s16  }
0xb6: {  	s13 =	sadd.s32 @!p0 s7, s15;
	s12 =	smul.u32 @!p0 $0x28000, s12  }
0xb7: {  	s13 =	sshll.u32 @!p0 s13, $0x7  }
0xb8: {  	s14 =	simm.s32 @!p0 $0x4000;
	_ =	swait.ge [sflag:s11], $0xA000;
	s12 =	sadd.s32 @!p0 s12, s13  }
0xb9: {  	s15 =	simm.s32 @!p0 $0x0;
	[sflag:s11] =	ssyncset.done $0x0;
	s12 =	sshrl.u32 @!p0 s12, $0x3  }
0xba: {  	[sflag:s11] =	ssyncadd.s32 $0xFFFF6000;
	s13 =	simm.s32 @!p0 $0x80;
	s12 =	sadd.s32 @!p0 s4, s12  }
0xbb: {  	[tilespmem:s15], [sflag:$0x3] =	stream.strided.gather @!p0 [hbm4b:s12+s13], $0x500, s14, s13, $0x38;
	[tilespmem:$0x1F400] =	vst v63  }
0xbc: {  	s12 =	simm.s32 @!p0 $0x3  }
0xbd: {  	_ =	swait.ge @!p0 [sflag:s12], $0x500  }
0xbe: {  	[sflag:s12] =	ssyncset.done @!p0 $0x0  }
0xbf: {  	[sflag:s12] =	ssyncadd.s32 @!p0 $0xFFFFFB00;
	s12 =	simm.s32 @!p0 $0xA00  }
0xc0: {  	[tilespmem:s12], [sflag:$0x1] =	stream.indirect.gather @!p0 [hbm4b:s5+s13], $0x20, s15, s13, $0xb8;
	[tilespmem:$0x1F400] =	vst v63  }
0xc1: {  	s12 =	simm.s32 @!p0 $0x1A00  }
0xc2: {  	[tilespmem:s12], [sflag:$0x1] =	stream.indirect.gather @!p0 [hbm4b:s5+s13], $0x20, s13, s13, $0xb8;
	[tilespmem:$0x1F400] =	vst v63  }
0xc3: {  	s14 =	simm.s32 @!p0 $0x2A00;
	s12 =	simm.s32 @!p0 $0x100  }
0xc4: {  	[tilespmem:s14], [sflag:$0x1] =	stream.indirect.gather @!p0 [hbm4b:s5+s13], $0x20, s12, s13, $0xb8;
	[tilespmem:$0x1F400] =	vst v63  }
0xc5: {  	s12 =	simm.s32 @!p0 $0x180;
	s14 =	simm.s32 @!p0 $0x3A00  }
0xc6: {  	[tilespmem:s14], [sflag:$0x1] =	stream.indirect.gather @!p0 [hbm4b:s5+s13], $0x20, s12, s13, $0xb8;
	[tilespmem:$0x1F400] =	vst v63  }
0xc7: {  	s12 =	simm.s32 @!p0 $0x200;
	s14 =	simm.s32 @!p0 $0x4A00  }
0xc8: {  	[tilespmem:s14], [sflag:$0x1] =	stream.indirect.gather @!p0 [hbm4b:s5+s13], $0x20, s12, s13, $0xb8;
	[tilespmem:$0x1F400] =	vst v63  }
0xc9: {  	s12 =	simm.s32 @!p0 $0x280;
	s14 =	simm.s32 @!p0 $0x5A00  }
0xca: {  	[tilespmem:s14], [sflag:$0x1] =	stream.indirect.gather @!p0 [hbm4b:s5+s13], $0x20, s12, s13, $0xb8;
	[tilespmem:$0x1F400] =	vst v63  }
0xcb: {  	s12 =	simm.s32 @!p0 $0x300;
	s14 =	simm.s32 @!p0 $0x6A00  }
0xcc: {  	[tilespmem:s14], [sflag:$0x1] =	stream.indirect.gather @!p0 [hbm4b:s5+s13], $0x20, s12, s13, $0xb8;
	[tilespmem:$0x1F400] =	vst v63  }
0xcd: {  	s12 =	simm.s32 @!p0 $0x380;
	s14 =	simm.s32 @!p0 $0x7A00  }
0xce: {  	[tilespmem:s14], [sflag:$0x1] =	stream.indirect.gather @!p0 [hbm4b:s5+s13], $0x20, s12, s13, $0xb8;
	[tilespmem:$0x1F400] =	vst v63  }
0xcf: {  	s12 =	simm.s32 @!p0 $0x400;
	s14 =	simm.s32 @!p0 $0x8A00  }
0xd0: {  	[tilespmem:s14], [sflag:$0x1] =	stream.indirect.gather @!p0 [hbm4b:s5+s13], $0x20, s12, s13, $0xb8;
	[tilespmem:$0x1F400] =	vst v63  }
0xd1: {  	s12 =	simm.s32 @!p0 $0x480;
	s14 =	simm.s32 @!p0 $0x9A00  }
0xd2: {  	[tilespmem:s14], [sflag:$0x1] =	stream.indirect.gather @!p0 [hbm4b:s5+s13], $0x20, s12, s13, $0xb8;
	[tilespmem:$0x1F400] =	vst v63  }
0xd3: {  	_ =	swait.ge [sflag:s8], $0x1000  }
0xd4: {  	[sflag:s8] =	ssyncset.done $0x0  }
0xd5: {  	[sflag:s8] =	ssyncadd.s32 $0xFFFFF000  }
0xd6: {  	_ =	swait.ge [sflag:s8], $0x1000  }
0xd7: {  	[sflag:s8] =	ssyncset.done $0x0  }
0xd8: {  	[sflag:s8] =	ssyncadd.s32 $0xFFFFF000  }
0xd9: {  	_ =	swait.ge [sflag:s8], $0x1000  }
0xda: {  	[sflag:s8] =	ssyncset.done $0x0  }
0xdb: {  	[sflag:s8] =	ssyncadd.s32 $0xFFFFF000  }
0xdc: {  	_ =	swait.ge [sflag:s8], $0x1000  }
0xdd: {  	[sflag:s8] =	ssyncset.done $0x0  }
0xde: {  	[sflag:s8] =	ssyncadd.s32 $0xFFFFF000  }
0xdf: {  	_ =	swait.ge [sflag:s8], $0x1000  }
0xe0: {  	[sflag:s8] =	ssyncset.done $0x0  }
0xe1: {  	[sflag:s8] =	ssyncadd.s32 $0xFFFFF000  }
0xe2: {  	_ =	swait.ge [sflag:s8], $0x1000  }
0xe3: {  	[sflag:s8] =	ssyncset.done $0x0  }
0xe4: {  	[sflag:s8] =	ssyncadd.s32 $0xFFFFF000  }
0xe5: {  	_ =	swait.ge [sflag:s8], $0x1000  }
0xe6: {  	[sflag:s8] =	ssyncset.done $0x0  }
0xe7: {  	[sflag:s8] =	ssyncadd.s32 $0xFFFFF000  }
0xe8: {  	_ =	swait.ge [sflag:s8], $0x1000  }
0xe9: {  	[sflag:s8] =	ssyncset.done $0x0  }
0xea: {  	[sflag:s8] =	ssyncadd.s32 $0xFFFFF000  }
0xeb: {  	_ =	swait.ge [sflag:s8], $0x1000  }
0xec: {  	s17 =	simm.s32 $0x0;
	[sflag:s8] =	ssyncset.done $0x0  }
0xed: {  	s16 =	simm.s32 $0x0;
	s15 =	simm.s32 $0x0;
	[sflag:s8] =	ssyncadd.s32 $0xFFFFF000  }
0xee: {  	s12 =	sand.u32 $0x7F, s15;
	s13 =	smul.u32 $0x1020, s16;
	_ =	swait.ge [sflag:s8], $0x1000  }
0xef: {  	s14 =	sand.u32 $0x3FFFF000, s17;
	s18 =	sshll.u32 s12, $0x5;
	[sflag:s8] =	ssyncset.done $0x0  }
0xf0: {  	s13 =	sadd.s32 s12, s13;
	s14 =	sor.u32 s18, s14;
	[sflag:s8] =	ssyncadd.s32 $0xFFFFF000  }
0xf1: {  	v2 =	vadd.s32 s13, v0;
	v3 =	vld [tilespmem:s14+$0xAA00];
	_ =	sdelay $0x4  }
0xf2: {  	[tilespmem:v2+s6+$0x0] =	vst.idx.msk $0xffff, v3  }
0xf3: {  	v3 =	vadd.s32 s13, v1;
	v2 =	vld [tilespmem:s14+$0xAA10]  }
0xf4: {  	s12 =	simm.s32 $0x1  }
0xf5: {  	s15 =	simm.s32 $0x0;
	s13 =	simm.s32 $0x2;
	s14 =	sand.u32 $0x7F, s12  }
.LBB2_7:
0xf6: {  	p0 =	sne.s32 s13, $0x4FF;
	s15 =	smul.u32 $0x1020, s15;
	s12 =	sshll.u32 s12, $0x5  }
0xf7: {  	s17 =	sshll.u32 s14, $0x5;
	s16 =	sand.u32 $0x3FFFF000, s12;
	s12 =	smov.u32 s13  }
0xf8: {  	s14 =	sadd.s32 s14, s15;
	s15 =	sor.u32 s17, s16;
	[tilespmem:v3+s6+$0x0] =	vst.idx.msk $0xffff, v2  }
0xf9: {  	v2 =	vadd.s32 s14, v0;
	v3 =	vld [tilespmem:s15+$0xAA00];
	_ =	sdelay $0x3  }
.Ltmp2:
0xfa: {  	(pc) =	sbr.rel @p0 .LBB2_7-.Ltmp2, $3  }
0xfb: {  	[tilespmem:v2+s6+$0x0] =	vst.idx.msk $0xffff, v3  }
0xfc: {  	v3 =	vadd.s32 s14, v1;
	v2 =	vld [tilespmem:s15+$0xAA10];
	_ =	sdelay $0x1  }
0xfd: {  	s13 =	sadd.s32 $0x1, s13;
	s14 =	sand.u32 $0x7F, s12;
	s15 =	sshrl.u32 s12, $0x7  }
0xfe: {  	_ =	sdelay $0x1  }
0xff: {  	s13 =	smul.u32 $0x1020, s15;
	s12 =	sshll.u32 s12, $0x5  }
0x100: {  	s18 =	sshll.u32 s14, $0x5;
	s12 =	sand.u32 $0x3FFFF000, s12  }
0x101: {  	s13 =	sadd.s32 s14, s13;
	s12 =	sor.u32 s18, s12;
	[tilespmem:v3+s6+$0x0] =	vst.idx.msk $0xffff, v2  }
0x102: {  	v2 =	vadd.s32 s13, v0;
	v3 =	vld [tilespmem:s12+$0xAA00];
	_ =	sdelay $0x4  }
0x103: {  	[tilespmem:v2+s6+$0x0] =	vst.idx.msk $0xffff, v3  }
0x104: {  	v3 =	vadd.s32 s13, v1;
	v2 =	vld [tilespmem:s12+$0xAA10]  }
0x105: {  	s2 =	smul.u32 $0x500000, s2  }
0x106: {  	s0 =	sshll.u32 s0, $0xA  }
0x107: {  	s0 =	sor.u32 s2, s0  }
0x108: {  	s0 =	sshrl.u32 s0, $0x3  }
0x109: {  	s2 =	sadd.s32 s1, s0;
	s12 =	simm.s32 $0x14A00;
	[tilespmem:v3+s6+$0x0] =	vst.idx.msk $0xffff, v2  }
0x10a: {  	[hbm4b:s2+s3] =	stream.linear.scatter [tilespmem:s12], [sflag:$0x3], $0x80, $0x38;
	[tilespmem:$0x1F400] =	vst v63  }
0x10b: {  	s14 =	sadd.s32 $0x10, s2;
	s13 =	simm.s32 $0x14A88  }
0x10c: {  	[hbm4b:s14+s3] =	stream.linear.scatter [tilespmem:s13], [sflag:$0x3], $0x80, $0x38;
	[tilespmem:$0x1F400] =	vst v63  }
0x10d: {  	s15 =	simm.s32 $0x14B10;
	s17 =	simm.s32 $0x14B98;
	s16 =	sadd.s32 $0x20, s2  }
0x10e: {  	[hbm4b:s16+s3] =	stream.linear.scatter [tilespmem:s15], [sflag:$0x3], $0x80, $0x38;
	[tilespmem:$0x1F400] =	vst v63  }
0x10f: {  	s0 =	simm.s32 $0x440;
	s18 =	sadd.s32 $0x30, s2;
	s12 =	simm.s32 $0x2200  }
0x110: {  	[hbm4b:s18+s3] =	stream.linear.scatter [tilespmem:s17], [sflag:$0x3], $0x80, $0x38;
	[tilespmem:$0x1F400] =	vst v63  }
0x111: {  	s13 =	simm.s32 $0x14C20;
	s14 =	sadd.s32 $0x40, s2;
	s15 =	simm.s32 $0x14CA8  }
0x112: {  	[hbm4b:s14+s3] =	stream.linear.scatter [tilespmem:s13], [sflag:$0x3], $0x80, $0x38;
	[tilespmem:$0x1F400] =	vst v63  }
0x113: {  	s16 =	sadd.s32 $0x50, s2;
	s17 =	simm.s32 $0x14D30;
	s18 =	sadd.s32 $0x60, s2  }
0x114: {  	[hbm4b:s16+s3] =	stream.linear.scatter [tilespmem:s15], [sflag:$0x3], $0x80, $0x38;
	[tilespmem:$0x1F400] =	vst v63  }
0x115: {  	s13 =	simm.s32 $0x14DB8;
	s14 =	sadd.s32 $0x70, s2;
	s2 =	sadd.s32 $0x4000, s2  }
0x116: {  	[hbm4b:s18+s3] =	stream.linear.scatter [tilespmem:s17], [sflag:$0x3], $0x80, $0x38;
	[tilespmem:$0x1F400] =	vst v63  }
.LBB2_9:
0x117: {  	[hbm4b:s14+s3] =	stream.linear.scatter [tilespmem:s13], [sflag:$0x3], $0x80, $0x38;
	[tilespmem:$0x1F400] =	vst v63  }
0x118: {  	s13 =	smov.u32 s0;
	s0 =	smov.u32 s12  }
0x119: {  	s15 =	sadd.s32 $0x1100, s12;
	s0 =	sshra.s32 s0, $0x2;
	s14 =	sadd.s32 $0x14A00, s13  }
0x11a: {  	[hbm4b:s2+s3] =	stream.linear.scatter [tilespmem:s14], [sflag:$0x3], $0x80, $0x38;
	[tilespmem:$0x1F400] =	vst v63  }
0x11b: {  	p0 =	sne.s32 s12, $0x29700;
	s12 =	sadd.s32 $0x14A88, s13;
	s14 =	sadd.s32 $0x10, s2  }
0x11c: {  	[hbm4b:s14+s3] =	stream.linear.scatter [tilespmem:s12], [sflag:$0x3], $0x80, $0x38;
	[tilespmem:$0x1F400] =	vst v63  }
0x11d: {  	s12 =	sadd.s32 $0x14B10, s13;
	s14 =	sadd.s32 $0x20, s2  }
0x11e: {  	[hbm4b:s14+s3] =	stream.linear.scatter [tilespmem:s12], [sflag:$0x3], $0x80, $0x38;
	[tilespmem:$0x1F400] =	vst v63  }
0x11f: {  	s12 =	sadd.s32 $0x14B98, s13;
	s14 =	sadd.s32 $0x30, s2  }
0x120: {  	[hbm4b:s14+s3] =	stream.linear.scatter [tilespmem:s12], [sflag:$0x3], $0x80, $0x38;
	[tilespmem:$0x1F400] =	vst v63  }
0x121: {  	s12 =	sadd.s32 $0x14C20, s13;
	s14 =	sadd.s32 $0x40, s2  }
0x122: {  	[hbm4b:s14+s3] =	stream.linear.scatter [tilespmem:s12], [sflag:$0x3], $0x80, $0x38;
	[tilespmem:$0x1F400] =	vst v63  }
.Ltmp3:
0x123: {  	s12 =	sadd.s32 $0x14CA8, s13;
	s14 =	sadd.s32 $0x50, s2;
	(pc) =	sbr.rel @p0 .LBB2_9-.Ltmp3, $4  }
0x124: {  	[hbm4b:s14+s3] =	stream.linear.scatter [tilespmem:s12], [sflag:$0x3], $0x80, $0x38;
	[tilespmem:$0x1F400] =	vst v63  }
0x125: {  	s12 =	sadd.s32 $0x14D30, s13;
	s14 =	sadd.s32 $0x60, s2;
	s13 =	sadd.s32 $0x14DB8, s13  }
0x126: {  	[hbm4b:s14+s3] =	stream.linear.scatter [tilespmem:s12], [sflag:$0x3], $0x80, $0x38;
	[tilespmem:$0x1F400] =	vst v63  }
0x127: {  	s14 =	sadd.s32 $0x70, s2;
	s2 =	sadd.s32 $0x4000, s2;
	s12 =	smov.u32 s15  }
0x128: {  	[hbm4b:s14+s3] =	stream.linear.scatter [tilespmem:s13], [sflag:$0x3], $0x80, $0x38;
	[tilespmem:$0x1F400] =	vst v63  }
0x129: {  	s12 =	sadd.s32 $0x14A00, s0  }
0x12a: {  	[hbm4b:s2+s3] =	stream.linear.scatter [tilespmem:s12], [sflag:$0x3], $0x80, $0x38;
	[tilespmem:$0x1F400] =	vst v63  }
0x12b: {  	s17 =	sadd.s32 $0x14A88, s0;
	s18 =	sadd.s32 $0x10, s2  }
0x12c: {  	[hbm4b:s18+s3] =	stream.linear.scatter [tilespmem:s17], [sflag:$0x3], $0x80, $0x38;
	[tilespmem:$0x1F400] =	vst v63  }
0x12d: {  	s13 =	sadd.s32 $0x14B10, s0;
	s14 =	sadd.s32 $0x20, s2  }
0x12e: {  	[hbm4b:s14+s3] =	stream.linear.scatter [tilespmem:s13], [sflag:$0x3], $0x80, $0x38;
	[tilespmem:$0x1F400] =	vst v63  }
0x12f: {  	s15 =	sadd.s32 $0x14B98, s0;
	s16 =	sadd.s32 $0x30, s2  }
0x130: {  	[hbm4b:s16+s3] =	stream.linear.scatter [tilespmem:s15], [sflag:$0x3], $0x80, $0x38;
	[tilespmem:$0x1F400] =	vst v63  }
0x131: {  	s17 =	sadd.s32 $0x14C20, s0;
	s18 =	sadd.s32 $0x40, s2  }
0x132: {  	[hbm4b:s18+s3] =	stream.linear.scatter [tilespmem:s17], [sflag:$0x3], $0x80, $0x38;
	[tilespmem:$0x1F400] =	vst v63  }
0x133: {  	s10 =	sadd.s32 $0x1, s10;
	s13 =	sadd.s32 $0x14CA8, s0;
	s14 =	sadd.s32 $0x50, s2  }
0x134: {  	[hbm4b:s14+s3] =	stream.linear.scatter [tilespmem:s13], [sflag:$0x3], $0x80, $0x38;
	[tilespmem:$0x1F400] =	vst v63  }
0x135: {  	p0 =	sne.s32 s10, $0xA;
	s15 =	sadd.s32 $0x14D30, s0;
	s16 =	sadd.s32 $0x60, s2  }
0x136: {  	[hbm4b:s16+s3] =	stream.linear.scatter [tilespmem:s15], [sflag:$0x3], $0x80, $0x38;
	[tilespmem:$0x1F400] =	vst v63  }
.Ltmp4:
0x137: {  	s17 =	sadd.s32 $0x14DB8, s0;
	s18 =	sadd.s32 $0x70, s2;
	(pc) =	sbr.rel @p0 .LBB2_2-.Ltmp4, $4  }
0x138: {  	[hbm4b:s18+s3] =	stream.linear.scatter [tilespmem:s17], [sflag:$0x3], $0x80, $0x38;
	[tilespmem:$0x1F400] =	vst v63  }
0x139: {  	_ =	swait.ge [sflag:s11], $0xA000  }
0x13a: {  	[sflag:s11] =	ssyncset.done $0x0  }
0x13b: {  	[sflag:s11] =	ssyncadd.s32 $0xFFFF6000  }
0x13c: {  	s2 =	rddreg [dreg:$0x5]  }
0x13d: {  	s0 =	rddreg [dreg:$0x4];
	s2 =	sadd.s32 $0x1, s2  }
0x13e: {  	p0 =	sne.s32 s2, s0  }
.Ltmp5:
0x13f: {  	_ = 	snop;
	(pc) =	sbr.rel @p0 .LBB2_1-.Ltmp5, $1  }
0x140: {  	_ =	sdelay $0x3  }
0x141: {  	_ =	sfence.sel $0x180000  }
0x142: {  	[bflag:$0x0] =	sbarrier.arrive $0xFFFF  }
0x143: {  	_ =	strace $0x90000047  }
0x144: {  	s0 =	stileid.u32;
	[bflag:$0x2] =	sbarrier.arrive $0xFFFF  }
0x145: {  	p0 =	sne.s32 s0, $0x0;
	s0 =	rddreg [dreg:$0x2]  }
0x146: {  	s0 =	sadd.s32 @!p0 $0x100000, s0  }
0x147: {  	[sflag:s0] =	ssyncadd.tile.s32 @!p0 $0x1;
	_ =	shalt  }
.Lfunc_end2:
_tile_overlayer_lowered:
.L_overlay_start_2:
0x148: {  	(tag) =	ssettag $0x2  }
0x149: {  	s0 =	rddreg [dreg:$0x0];
	s2 =	stileid.u32  }
0x14a: {  	s1 =	rddreg [dreg:$0x1];
	p0 =	sne.s32 s2, $0x0  }
0x14b: {  	s3 =	rddreg [dreg:$0x2];
	[bflag:$0x3] =	sbarrier.arrive $0xFFFF;
	s2 =	simm.s32 @!p0 $0x1C03  }
0x14c: {  	[timem:s3], [sflag:s2] =	dma.local @!p0 [hbm:s0], s1  }
0x14d: {  	s0 =	simm.s32 @!p0 $0x3  }
0x14e: {  	_ =	swait.ge @!p0 [sflag:s0], s1  }
0x14f: {  	s1 =	ssub.s32 @!p0 $0x0, s1;
	[sflag:s0] =	ssyncset.done @!p0 $0x0  }
0x150: {  	[sflag:s0] =	ssyncadd.s32 @!p0 s1  }
0x151: {  	[bflag:$0x3] =	sbarrier.arrive $0xFFFF  }
0x152: {  	_ =	shalt  }

</sc_bundles>
